<compile_context>
chip_gen: v7x
topology: tpu7x:2x2x1
jax: 0.10.2.dev20260603
libtpu: 0.0.44.dev20260713+nightly
codegen_flags: <defaults>
</compile_context>

<pallas_src>
import functools

import jax
import jax.numpy as jnp
from jax import lax
from jax.experimental import pallas as pl
from jax.experimental.pallas import tpu as pltpu
from jax.experimental.pallas import tpu_sc as plsc

VOCAB = 10000
EMBED_DIM = 64
BATCH = 16384
BAG_LEN = 50

NUM_CORES = 2
NUM_SUBCORES = 16
LANES = 16
NUM_WORKERS = NUM_CORES * NUM_SUBCORES
BAGS_PER_W = BATCH // NUM_WORKERS
IDX_PER_W = BAGS_PER_W * BAG_LEN
GROUPS = BAGS_PER_W // LANES


def _fold_body(table_ref, w1_ref, b1_ref, w2p_ref, b2_ref, s_ref):
    vvp = lax.dot_general(
        w2p_ref[...], w1_ref[...], (((1,), (0,)), ((), ())),
        preferred_element_type=jnp.float32,
    )
    c = jnp.sum(b1_ref[...] * w2p_ref[0:1, :]) + b2_ref[0, 0]
    s_blk = lax.dot_general(
        vvp, table_ref[...], (((1,), (1,)), ((), ())),
        preferred_element_type=jnp.float32,
    )
    s_ref[...] = (s_blk[0:1, :] + c) * (1.0 / BAG_LEN)


def _fold_tables(emb_table, W1, b1, W2, b2):
    w2p = jnp.pad(W2, ((0, 7), (0, 0)))
    return pl.pallas_call(
        _fold_body,
        out_shape=jax.ShapeDtypeStruct((1, VOCAB), jnp.float32),
    )(emb_table, W1, b1.reshape(1, EMBED_DIM), w2p, b2.reshape(1, 1))


@functools.partial(
    pl.kernel,
    mesh=plsc.VectorSubcoreMesh(core_axis_name="c", subcore_axis_name="s"),
    out_type=jax.ShapeDtypeStruct((BATCH,), jnp.float32),
    compiler_params=pltpu.CompilerParams(needs_layout_passes=False),
    scratch_types=[
        pltpu.VMEM((VOCAB,), jnp.float32),
        pltpu.VMEM((BAG_LEN, BAGS_PER_W), jnp.int32),
        pltpu.VMEM((BAGS_PER_W,), jnp.float32),
        pltpu.SemaphoreType.DMA,
        pltpu.SemaphoreType.DMA,
    ],
)
def _sc_bag_sum(s_hbm, idxt_hbm, out_hbm, s_v, idx_v, out_v, sem_s, sem_i):
    wid = lax.axis_index("s") * NUM_CORES + lax.axis_index("c")
    bag0 = wid * BAGS_PER_W
    cp_s = pltpu.async_copy(s_hbm.at[0], s_v, sem_s)
    cp_i = pltpu.async_copy(idxt_hbm.at[:, pl.ds(bag0, BAGS_PER_W)], idx_v, sem_i)
    cp_s.wait()
    cp_i.wait()

    @plsc.parallel_loop(0, GROUPS, 1, unroll=2)
    def group_body(j):
        col = j * LANES
        accs = [jnp.zeros((16,), jnp.float32) for _ in range(4)]
        for l in range(BAG_LEN):
            iv = idx_v[l, pl.ds(col, LANES)]
            accs[l % 4] = accs[l % 4] + plsc.load_gather(s_v, [iv])
        out_v[pl.ds(col, LANES)] = (accs[0] + accs[1]) + (accs[2] + accs[3])
    pltpu.sync_copy(out_v, out_hbm.at[pl.ds(bag0, BAGS_PER_W)])


def kernel(input, emb_table, W1, b1, W2, b2):
    s = _fold_tables(emb_table, W1, b1, W2, b2)
    idx_t = input.astype(jnp.int32).T
    out = _sc_bag_sum(s, idx_t)
    return out.reshape(BATCH, 1)

# --- scband reference (transcript-rebuilt; emitter-appended) ---
"""Pipeline reference for scband-sample-embedding-nn-10548439679487 (READ-ONLY COPY).

The authoritative reference and input builder live on the scoring server;
editing this copy changes nothing except your own understanding.
"""

import jax, jax.numpy as jnp
import numpy as np

VOCAB = 10000
EMBED_DIM = 64
OUTPUT_DIM = 64
BATCH = 16384
BAG_LEN = 50

def setup_inputs(seed: int = 0) -> dict:
    key = jax.random.key(seed)
    k0, k1, k2, k3, k4, k5 = jax.random.split(key, 6)
    input_idx = jax.random.randint(k0, (BATCH, BAG_LEN), 0, VOCAB, dtype=jnp.int64 if jax.config.jax_enable_x64 else jnp.int32)
    emb_table = jax.random.normal(k1, (VOCAB, EMBED_DIM), dtype=jnp.float32)
    bound1 = 1.0 / np.sqrt(EMBED_DIM)
    W1 = jax.random.uniform(k2, (OUTPUT_DIM, EMBED_DIM), minval=-bound1, maxval=bound1, dtype=jnp.float32)
    b1 = jax.random.uniform(k3, (OUTPUT_DIM,), minval=-bound1, maxval=bound1, dtype=jnp.float32)
    bound2 = 1.0 / np.sqrt(OUTPUT_DIM)
    W2 = jax.random.uniform(k4, (1, OUTPUT_DIM), minval=-bound2, maxval=bound2, dtype=jnp.float32)
    b2 = jax.random.uniform(k5, (1,), minval=-bound2, maxval=bound2, dtype=jnp.float32)
    return {"input": input_idx, "emb_table": emb_table, "W1": W1, "b1": b1, "W2": W2, "b2": b2}

def reference(input, emb_table, W1, b1, W2, b2):
    # nn.EmbeddingBag default mode='mean': gather then mean over bag dim
    gathered = jnp.take(emb_table, input, axis=0)           # [B, L, D]
    embed = jnp.mean(gathered, axis=1)                      # [B, D]
    intermediate = embed @ W1.T + b1                        # [B, OUTPUT_DIM]
    output = intermediate @ W2.T + b2                       # [B, 1]
    return output

if __name__ == "__main__":
    import jax
    _d = setup_inputs()
    print(jax.jit(kernel)(*tuple(_d.values())))

</pallas_src>

<mosaic_0001>
#map = affine_map<(d0, d1) -> (0, 0)>
#map1 = affine_map<(d0, d1) -> (0)>
module attributes {stable_mosaic.version = 14 : i64} {
  func.func @_sc_bag_sum(%arg0: i32, %arg1: i32, %arg2: memref<1x10000xf32, #tpu.memory_space<hbm>>, %arg3: memref<50x16384xi32, #tpu.memory_space<hbm>>, %arg4: memref<16384xf32, #tpu.memory_space<hbm>>, %arg5: memref<10000xf32, #tpu.memory_space<vmem>>, %arg6: memref<50x512xi32, #tpu.memory_space<vmem>>, %arg7: memref<512xf32, #tpu.memory_space<vmem>>, %arg8: memref<!tpu.dma_semaphore, #tpu.memory_space<semaphore_mem>>, %arg9: memref<!tpu.dma_semaphore, #tpu.memory_space<semaphore_mem>>) attributes {dimension_semantics = [#tpu.dimension_semantics<core_parallel>, #tpu.dimension_semantics<subcore_parallel>], iteration_bounds = array<i64: 2, 16>, scalar_prefetch = 0 : i64, scratch_operands = 5 : i64, tpu.core_type = #tpu.core_type<sc_vector_subcore>, window_params = [{transform_indices = #map}, {transform_indices = #map}, {transform_indices = #map1}]} {
    %mul3A = arith.constant 2 : i32
    %mul3A_0 = arith.muli %arg1, %mul3A : i32
    %add3A = arith.addi %mul3A_0, %arg0 : i32
    %mul3A_1 = arith.constant 512 : i32
    %mul3A_2 = arith.muli %add3A, %mul3A_1 : i32
    %dma_start3A = arith.constant 0 : i32
    %dma_start3A_3 = arith.constant 0 : i32
    %dma_start3A_4 = tpu.memref_slice %arg2[%dma_start3A, %dma_start3A_3] : memref<1x10000xf32, #tpu.memory_space<hbm>> -> memref<1x10000xf32, #tpu.memory_space<hbm>>
    %dma_start3A_5 = tpu.memref_squeeze %dma_start3A_4 : memref<1x10000xf32, #tpu.memory_space<hbm>> -> memref<10000xf32, #tpu.memory_space<hbm>>
    %dma_start3A_6 = arith.constant 0 : i32
    %dma_start3A_7 = tpu.memref_slice %arg2[%dma_start3A, %dma_start3A_6] : memref<1x10000xf32, #tpu.memory_space<hbm>> -> memref<1x10000xf32, #tpu.memory_space<hbm>>
    %dma_start3A_8 = tpu.memref_squeeze %dma_start3A_7 : memref<1x10000xf32, #tpu.memory_space<hbm>> -> memref<10000xf32, #tpu.memory_space<hbm>>
    tpu.enqueue_dma source(%dma_start3A_8 : memref<10000xf32, #tpu.memory_space<hbm>>) target(%arg5 : memref<10000xf32, #tpu.memory_space<vmem>>) target_semaphore(%arg8 : memref<!tpu.dma_semaphore, #tpu.memory_space<semaphore_mem>>)
    %dma_start3A_9 = arith.constant 0 : i32
    %dma_start3A_10 = tpu.memref_slice %arg3[%dma_start3A_9, %mul3A_2] : memref<50x16384xi32, #tpu.memory_space<hbm>> -> memref<50x512xi32, #tpu.memory_space<hbm>>
    %dma_start3A_11 = arith.constant 0 : i32
    %dma_start3A_12 = tpu.memref_slice %arg3[%dma_start3A_11, %mul3A_2] : memref<50x16384xi32, #tpu.memory_space<hbm>> -> memref<50x512xi32, #tpu.memory_space<hbm>>
    tpu.enqueue_dma source(%dma_start3A_12 : memref<50x512xi32, #tpu.memory_space<hbm>>) target(%arg6 : memref<50x512xi32, #tpu.memory_space<vmem>>) target_semaphore(%arg9 : memref<!tpu.dma_semaphore, #tpu.memory_space<semaphore_mem>>)
    %dma_wait3A = arith.constant 0 : i32
    %dma_wait3A_13 = arith.constant 0 : i32
    %dma_wait3A_14 = tpu.memref_slice %arg2[%dma_wait3A, %dma_wait3A_13] : memref<1x10000xf32, #tpu.memory_space<hbm>> -> memref<1x10000xf32, #tpu.memory_space<hbm>>
    %dma_wait3A_15 = tpu.memref_squeeze %dma_wait3A_14 : memref<1x10000xf32, #tpu.memory_space<hbm>> -> memref<10000xf32, #tpu.memory_space<hbm>>
    %dma_wait3A_16 = arith.constant 0 : i32
    %dma_wait3A_17 = tpu.memref_slice %arg2[%dma_wait3A, %dma_wait3A_16] : memref<1x10000xf32, #tpu.memory_space<hbm>> -> memref<1x10000xf32, #tpu.memory_space<hbm>>
    %dma_wait3A_18 = tpu.memref_squeeze %dma_wait3A_17 : memref<1x10000xf32, #tpu.memory_space<hbm>> -> memref<10000xf32, #tpu.memory_space<hbm>>
    tpu.wait_dma2 semaphore(%arg8 : memref<!tpu.dma_semaphore, #tpu.memory_space<semaphore_mem>>) src(%dma_wait3A_18 : memref<10000xf32, #tpu.memory_space<hbm>>) dst(%arg5 : memref<10000xf32, #tpu.memory_space<vmem>>)
    %dma_wait3A_19 = arith.constant 0 : i32
    %dma_wait3A_20 = tpu.memref_slice %arg3[%dma_wait3A_19, %mul3A_2] : memref<50x16384xi32, #tpu.memory_space<hbm>> -> memref<50x512xi32, #tpu.memory_space<hbm>>
    %dma_wait3A_21 = arith.constant 0 : i32
    %dma_wait3A_22 = tpu.memref_slice %arg3[%dma_wait3A_21, %mul3A_2] : memref<50x16384xi32, #tpu.memory_space<hbm>> -> memref<50x512xi32, #tpu.memory_space<hbm>>
    tpu.wait_dma2 semaphore(%arg9 : memref<!tpu.dma_semaphore, #tpu.memory_space<semaphore_mem>>) src(%dma_wait3A_22 : memref<50x512xi32, #tpu.memory_space<hbm>>) dst(%arg6 : memref<50x512xi32, #tpu.memory_space<vmem>>)
    %parallel_loop3A = arith.constant 0 : i32
    %parallel_loop3A_23 = arith.constant 32 : i32
    %parallel_loop3A_24 = arith.constant 1 : i32
    scf.for %parallel_loop3A_25 = %parallel_loop3A to %parallel_loop3A_23 step %parallel_loop3A_24  : i32 {
      %parallel_loop3A_26 = arith.constant 16 : i32
      %parallel_loop3A_27 = arith.muli %parallel_loop3A_25, %parallel_loop3A_26 : i32
      %parallel_loop3A_28 = arith.constant 0.000000e+00 : f32
      %parallel_loop3A_29 = vector.broadcast %parallel_loop3A_28 : f32 to vector<16xf32>
      %parallel_loop3A_30 = arith.constant 0.000000e+00 : f32
      %parallel_loop3A_31 = vector.broadcast %parallel_loop3A_30 : f32 to vector<16xf32>
      %parallel_loop3A_32 = arith.constant 0.000000e+00 : f32
      %parallel_loop3A_33 = vector.broadcast %parallel_loop3A_32 : f32 to vector<16xf32>
      %parallel_loop3A_34 = arith.constant 0.000000e+00 : f32
      %parallel_loop3A_35 = vector.broadcast %parallel_loop3A_34 : f32 to vector<16xf32>
      %parallel_loop3A_36 = arith.constant 0 : i32
      %parallel_loop3A_37 = arith.index_cast %parallel_loop3A_36 : i32 to index
      %parallel_loop3A_38 = arith.index_cast %parallel_loop3A_27 : i32 to index
      %parallel_loop3A_39 = tpu.vector_load %arg6[%parallel_loop3A_37, %parallel_loop3A_38] {strides = array<i32>} : memref<50x512xi32, #tpu.memory_space<vmem>>, vector<16xi32>,
      %parallel_loop3A_40 = tpu.vector_load_idx %arg5[%parallel_loop3A_39] : memref<10000xf32, #tpu.memory_space<vmem>>[vector<16xi32>], vector<16xf32>,
      %parallel_loop3A_41 = arith.addf %parallel_loop3A_29, %parallel_loop3A_40 : vector<16xf32>
      %parallel_loop3A_42 = arith.constant 1 : i32
      %parallel_loop3A_43 = arith.index_cast %parallel_loop3A_42 : i32 to index
      %parallel_loop3A_44 = arith.index_cast %parallel_loop3A_27 : i32 to index
      %parallel_loop3A_45 = tpu.vector_load %arg6[%parallel_loop3A_43, %parallel_loop3A_44] {strides = array<i32>} : memref<50x512xi32, #tpu.memory_space<vmem>>, vector<16xi32>,
      %parallel_loop3A_46 = tpu.vector_load_idx %arg5[%parallel_loop3A_45] : memref<10000xf32, #tpu.memory_space<vmem>>[vector<16xi32>], vector<16xf32>,
      %parallel_loop3A_47 = arith.addf %parallel_loop3A_31, %parallel_loop3A_46 : vector<16xf32>
      %parallel_loop3A_48 = arith.constant 2 : i32
      %parallel_loop3A_49 = arith.index_cast %parallel_loop3A_48 : i32 to index
      %parallel_loop3A_50 = arith.index_cast %parallel_loop3A_27 : i32 to index
      %parallel_loop3A_51 = tpu.vector_load %arg6[%parallel_loop3A_49, %parallel_loop3A_50] {strides = array<i32>} : memref<50x512xi32, #tpu.memory_space<vmem>>, vector<16xi32>,
      %parallel_loop3A_52 = tpu.vector_load_idx %arg5[%parallel_loop3A_51] : memref<10000xf32, #tpu.memory_space<vmem>>[vector<16xi32>], vector<16xf32>,
      %parallel_loop3A_53 = arith.addf %parallel_loop3A_33, %parallel_loop3A_52 : vector<16xf32>
      %parallel_loop3A_54 = arith.constant 3 : i32
      %parallel_loop3A_55 = arith.index_cast %parallel_loop3A_54 : i32 to index
      %parallel_loop3A_56 = arith.index_cast %parallel_loop3A_27 : i32 to index
      %parallel_loop3A_57 = tpu.vector_load %arg6[%parallel_loop3A_55, %parallel_loop3A_56] {strides = array<i32>} : memref<50x512xi32, #tpu.memory_space<vmem>>, vector<16xi32>,
      %parallel_loop3A_58 = tpu.vector_load_idx %arg5[%parallel_loop3A_57] : memref<10000xf32, #tpu.memory_space<vmem>>[vector<16xi32>], vector<16xf32>,
      %parallel_loop3A_59 = arith.addf %parallel_loop3A_35, %parallel_loop3A_58 : vector<16xf32>
      %parallel_loop3A_60 = arith.constant 4 : i32
      %parallel_loop3A_61 = arith.index_cast %parallel_loop3A_60 : i32 to index
      %parallel_loop3A_62 = arith.index_cast %parallel_loop3A_27 : i32 to index
      %parallel_loop3A_63 = tpu.vector_load %arg6[%parallel_loop3A_61, %parallel_loop3A_62] {strides = array<i32>} : memref<50x512xi32, #tpu.memory_space<vmem>>, vector<16xi32>,
      %parallel_loop3A_64 = tpu.vector_load_idx %arg5[%parallel_loop3A_63] : memref<10000xf32, #tpu.memory_space<vmem>>[vector<16xi32>], vector<16xf32>,
      %parallel_loop3A_65 = arith.addf %parallel_loop3A_41, %parallel_loop3A_64 : vector<16xf32>
      %parallel_loop3A_66 = arith.constant 5 : i32
      %parallel_loop3A_67 = arith.index_cast %parallel_loop3A_66 : i32 to index
      %parallel_loop3A_68 = arith.index_cast %parallel_loop3A_27 : i32 to index
      %parallel_loop3A_69 = tpu.vector_load %arg6[%parallel_loop3A_67, %parallel_loop3A_68] {strides = array<i32>} : memref<50x512xi32, #tpu.memory_space<vmem>>, vector<16xi32>,
      %parallel_loop3A_70 = tpu.vector_load_idx %arg5[%parallel_loop3A_69] : memref<10000xf32, #tpu.memory_space<vmem>>[vector<16xi32>], vector<16xf32>,
      %parallel_loop3A_71 = arith.addf %parallel_loop3A_47, %parallel_loop3A_70 : vector<16xf32>
      %parallel_loop3A_72 = arith.constant 6 : i32
      %parallel_loop3A_73 = arith.index_cast %parallel_loop3A_72 : i32 to index
      %parallel_loop3A_74 = arith.index_cast %parallel_loop3A_27 : i32 to index
      %parallel_loop3A_75 = tpu.vector_load %arg6[%parallel_loop3A_73, %parallel_loop3A_74] {strides = array<i32>} : memref<50x512xi32, #tpu.memory_space<vmem>>, vector<16xi32>,
      %parallel_loop3A_76 = tpu.vector_load_idx %arg5[%parallel_loop3A_75] : memref<10000xf32, #tpu.memory_space<vmem>>[vector<16xi32>], vector<16xf32>,
      %parallel_loop3A_77 = arith.addf %parallel_loop3A_53, %parallel_loop3A_76 : vector<16xf32>
      %parallel_loop3A_78 = arith.constant 7 : i32
      %parallel_loop3A_79 = arith.index_cast %parallel_loop3A_78 : i32 to index
      %parallel_loop3A_80 = arith.index_cast %parallel_loop3A_27 : i32 to index
      %parallel_loop3A_81 = tpu.vector_load %arg6[%parallel_loop3A_79, %parallel_loop3A_80] {strides = array<i32>} : memref<50x512xi32, #tpu.memory_space<vmem>>, vector<16xi32>,
      %parallel_loop3A_82 = tpu.vector_load_idx %arg5[%parallel_loop3A_81] : memref<10000xf32, #tpu.memory_space<vmem>>[vector<16xi32>], vector<16xf32>,
      %parallel_loop3A_83 = arith.addf %parallel_loop3A_59, %parallel_loop3A_82 : vector<16xf32>
      %parallel_loop3A_84 = arith.constant 8 : i32
      %parallel_loop3A_85 = arith.index_cast %parallel_loop3A_84 : i32 to index
      %parallel_loop3A_86 = arith.index_cast %parallel_loop3A_27 : i32 to index
      %parallel_loop3A_87 = tpu.vector_load %arg6[%parallel_loop3A_85, %parallel_loop3A_86] {strides = array<i32>} : memref<50x512xi32, #tpu.memory_space<vmem>>, vector<16xi32>,
      %parallel_loop3A_88 = tpu.vector_load_idx %arg5[%parallel_loop3A_87] : memref<10000xf32, #tpu.memory_space<vmem>>[vector<16xi32>], vector<16xf32>,
      %parallel_loop3A_89 = arith.addf %parallel_loop3A_65, %parallel_loop3A_88 : vector<16xf32>
      %parallel_loop3A_90 = arith.constant 9 : i32
      %parallel_loop3A_91 = arith.index_cast %parallel_loop3A_90 : i32 to index
      %parallel_loop3A_92 = arith.index_cast %parallel_loop3A_27 : i32 to index
      %parallel_loop3A_93 = tpu.vector_load %arg6[%parallel_loop3A_91, %parallel_loop3A_92] {strides = array<i32>} : memref<50x512xi32, #tpu.memory_space<vmem>>, vector<16xi32>,
      %parallel_loop3A_94 = tpu.vector_load_idx %arg5[%parallel_loop3A_93] : memref<10000xf32, #tpu.memory_space<vmem>>[vector<16xi32>], vector<16xf32>,
      %parallel_loop3A_95 = arith.addf %parallel_loop3A_71, %parallel_loop3A_94 : vector<16xf32>
      %parallel_loop3A_96 = arith.constant 10 : i32
      %parallel_loop3A_97 = arith.index_cast %parallel_loop3A_96 : i32 to index
      %parallel_loop3A_98 = arith.index_cast %parallel_loop3A_27 : i32 to index
      %parallel_loop3A_99 = tpu.vector_load %arg6[%parallel_loop3A_97, %parallel_loop3A_98] {strides = array<i32>} : memref<50x512xi32, #tpu.memory_space<vmem>>, vector<16xi32>,
      %parallel_loop3A_100 = tpu.vector_load_idx %arg5[%parallel_loop3A_99] : memref<10000xf32, #tpu.memory_space<vmem>>[vector<16xi32>], vector<16xf32>,
      %parallel_loop3A_101 = arith.addf %parallel_loop3A_77, %parallel_loop3A_100 : vector<16xf32>
      %parallel_loop3A_102 = arith.constant 11 : i32
      %parallel_loop3A_103 = arith.index_cast %parallel_loop3A_102 : i32 to index
      %parallel_loop3A_104 = arith.index_cast %parallel_loop3A_27 : i32 to index
      %parallel_loop3A_105 = tpu.vector_load %arg6[%parallel_loop3A_103, %parallel_loop3A_104] {strides = array<i32>} : memref<50x512xi32, #tpu.memory_space<vmem>>, vector<16xi32>,
      %parallel_loop3A_106 = tpu.vector_load_idx %arg5[%parallel_loop3A_105] : memref<10000xf32, #tpu.memory_space<vmem>>[vector<16xi32>], vector<16xf32>,
      %parallel_loop3A_107 = arith.addf %parallel_loop3A_83, %parallel_loop3A_106 : vector<16xf32>
      %parallel_loop3A_108 = arith.constant 12 : i32
      %parallel_loop3A_109 = arith.index_cast %parallel_loop3A_108 : i32 to index
      %parallel_loop3A_110 = arith.index_cast %parallel_loop3A_27 : i32 to index
      %parallel_loop3A_111 = tpu.vector_load %arg6[%parallel_loop3A_109, %parallel_loop3A_110] {strides = array<i32>} : memref<50x512xi32, #tpu.memory_space<vmem>>, vector<16xi32>,
      %parallel_loop3A_112 = tpu.vector_load_idx %arg5[%parallel_loop3A_111] : memref<10000xf32, #tpu.memory_space<vmem>>[vector<16xi32>], vector<16xf32>,
      %parallel_loop3A_113 = arith.addf %parallel_loop3A_89, %parallel_loop3A_112 : vector<16xf32>
      %parallel_loop3A_114 = arith.constant 13 : i32
      %parallel_loop3A_115 = arith.index_cast %parallel_loop3A_114 : i32 to index
      %parallel_loop3A_116 = arith.index_cast %parallel_loop3A_27 : i32 to index
      %parallel_loop3A_117 = tpu.vector_load %arg6[%parallel_loop3A_115, %parallel_loop3A_116] {strides = array<i32>} : memref<50x512xi32, #tpu.memory_space<vmem>>, vector<16xi32>,
      %parallel_loop3A_118 = tpu.vector_load_idx %arg5[%parallel_loop3A_117] : memref<10000xf32, #tpu.memory_space<vmem>>[vector<16xi32>], vector<16xf32>,
      %parallel_loop3A_119 = arith.addf %parallel_loop3A_95, %parallel_loop3A_118 : vector<16xf32>
      %parallel_loop3A_120 = arith.constant 14 : i32
      %parallel_loop3A_121 = arith.index_cast %parallel_loop3A_120 : i32 to index
      %parallel_loop3A_122 = arith.index_cast %parallel_loop3A_27 : i32 to index
      %parallel_loop3A_123 = tpu.vector_load %arg6[%parallel_loop3A_121, %parallel_loop3A_122] {strides = array<i32>} : memref<50x512xi32, #tpu.memory_space<vmem>>, vector<16xi32>,
      %parallel_loop3A_124 = tpu.vector_load_idx %arg5[%parallel_loop3A_123] : memref<10000xf32, #tpu.memory_space<vmem>>[vector<16xi32>], vector<16xf32>,
      %parallel_loop3A_125 = arith.addf %parallel_loop3A_101, %parallel_loop3A_124 : vector<16xf32>
      %parallel_loop3A_126 = arith.constant 15 : i32
      %parallel_loop3A_127 = arith.index_cast %parallel_loop3A_126 : i32 to index
      %parallel_loop3A_128 = arith.index_cast %parallel_loop3A_27 : i32 to index
      %parallel_loop3A_129 = tpu.vector_load %arg6[%parallel_loop3A_127, %parallel_loop3A_128] {strides = array<i32>} : memref<50x512xi32, #tpu.memory_space<vmem>>, vector<16xi32>,
      %parallel_loop3A_130 = tpu.vector_load_idx %arg5[%parallel_loop3A_129] : memref<10000xf32, #tpu.memory_space<vmem>>[vector<16xi32>], vector<16xf32>,
      %parallel_loop3A_131 = arith.addf %parallel_loop3A_107, %parallel_loop3A_130 : vector<16xf32>
      %parallel_loop3A_132 = arith.constant 16 : i32
      %parallel_loop3A_133 = arith.index_cast %parallel_loop3A_132 : i32 to index
      %parallel_loop3A_134 = arith.index_cast %parallel_loop3A_27 : i32 to index
      %parallel_loop3A_135 = tpu.vector_load %arg6[%parallel_loop3A_133, %parallel_loop3A_134] {strides = array<i32>} : memref<50x512xi32, #tpu.memory_space<vmem>>, vector<16xi32>,
      %parallel_loop3A_136 = tpu.vector_load_idx %arg5[%parallel_loop3A_135] : memref<10000xf32, #tpu.memory_space<vmem>>[vector<16xi32>], vector<16xf32>,
      %parallel_loop3A_137 = arith.addf %parallel_loop3A_113, %parallel_loop3A_136 : vector<16xf32>
      %parallel_loop3A_138 = arith.constant 17 : i32
      %parallel_loop3A_139 = arith.index_cast %parallel_loop3A_138 : i32 to index
      %parallel_loop3A_140 = arith.index_cast %parallel_loop3A_27 : i32 to index
      %parallel_loop3A_141 = tpu.vector_load %arg6[%parallel_loop3A_139, %parallel_loop3A_140] {strides = array<i32>} : memref<50x512xi32, #tpu.memory_space<vmem>>, vector<16xi32>,
      %parallel_loop3A_142 = tpu.vector_load_idx %arg5[%parallel_loop3A_141] : memref<10000xf32, #tpu.memory_space<vmem>>[vector<16xi32>], vector<16xf32>,
      %parallel_loop3A_143 = arith.addf %parallel_loop3A_119, %parallel_loop3A_142 : vector<16xf32>
      %parallel_loop3A_144 = arith.constant 18 : i32
      %parallel_loop3A_145 = arith.index_cast %parallel_loop3A_144 : i32 to index
      %parallel_loop3A_146 = arith.index_cast %parallel_loop3A_27 : i32 to index
      %parallel_loop3A_147 = tpu.vector_load %arg6[%parallel_loop3A_145, %parallel_loop3A_146] {strides = array<i32>} : memref<50x512xi32, #tpu.memory_space<vmem>>, vector<16xi32>,
      %parallel_loop3A_148 = tpu.vector_load_idx %arg5[%parallel_loop3A_147] : memref<10000xf32, #tpu.memory_space<vmem>>[vector<16xi32>], vector<16xf32>,
      %parallel_loop3A_149 = arith.addf %parallel_loop3A_125, %parallel_loop3A_148 : vector<16xf32>
      %parallel_loop3A_150 = arith.constant 19 : i32
      %parallel_loop3A_151 = arith.index_cast %parallel_loop3A_150 : i32 to index
      %parallel_loop3A_152 = arith.index_cast %parallel_loop3A_27 : i32 to index
      %parallel_loop3A_153 = tpu.vector_load %arg6[%parallel_loop3A_151, %parallel_loop3A_152] {strides = array<i32>} : memref<50x512xi32, #tpu.memory_space<vmem>>, vector<16xi32>,
      %parallel_loop3A_154 = tpu.vector_load_idx %arg5[%parallel_loop3A_153] : memref<10000xf32, #tpu.memory_space<vmem>>[vector<16xi32>], vector<16xf32>,
      %parallel_loop3A_155 = arith.addf %parallel_loop3A_131, %parallel_loop3A_154 : vector<16xf32>
      %parallel_loop3A_156 = arith.constant 20 : i32
      %parallel_loop3A_157 = arith.index_cast %parallel_loop3A_156 : i32 to index
      %parallel_loop3A_158 = arith.index_cast %parallel_loop3A_27 : i32 to index
      %parallel_loop3A_159 = tpu.vector_load %arg6[%parallel_loop3A_157, %parallel_loop3A_158] {strides = array<i32>} : memref<50x512xi32, #tpu.memory_space<vmem>>, vector<16xi32>,
      %parallel_loop3A_160 = tpu.vector_load_idx %arg5[%parallel_loop3A_159] : memref<10000xf32, #tpu.memory_space<vmem>>[vector<16xi32>], vector<16xf32>,
      %parallel_loop3A_161 = arith.addf %parallel_loop3A_137, %parallel_loop3A_160 : vector<16xf32>
      %parallel_loop3A_162 = arith.constant 21 : i32
      %parallel_loop3A_163 = arith.index_cast %parallel_loop3A_162 : i32 to index
      %parallel_loop3A_164 = arith.index_cast %parallel_loop3A_27 : i32 to index
      %parallel_loop3A_165 = tpu.vector_load %arg6[%parallel_loop3A_163, %parallel_loop3A_164] {strides = array<i32>} : memref<50x512xi32, #tpu.memory_space<vmem>>, vector<16xi32>,
      %parallel_loop3A_166 = tpu.vector_load_idx %arg5[%parallel_loop3A_165] : memref<10000xf32, #tpu.memory_space<vmem>>[vector<16xi32>], vector<16xf32>,
      %parallel_loop3A_167 = arith.addf %parallel_loop3A_143, %parallel_loop3A_166 : vector<16xf32>
      %parallel_loop3A_168 = arith.constant 22 : i32
      %parallel_loop3A_169 = arith.index_cast %parallel_loop3A_168 : i32 to index
      %parallel_loop3A_170 = arith.index_cast %parallel_loop3A_27 : i32 to index
      %parallel_loop3A_171 = tpu.vector_load %arg6[%parallel_loop3A_169, %parallel_loop3A_170] {strides = array<i32>} : memref<50x512xi32, #tpu.memory_space<vmem>>, vector<16xi32>,
      %parallel_loop3A_172 = tpu.vector_load_idx %arg5[%parallel_loop3A_171] : memref<10000xf32, #tpu.memory_space<vmem>>[vector<16xi32>], vector<16xf32>,
      %parallel_loop3A_173 = arith.addf %parallel_loop3A_149, %parallel_loop3A_172 : vector<16xf32>
      %parallel_loop3A_174 = arith.constant 23 : i32
      %parallel_loop3A_175 = arith.index_cast %parallel_loop3A_174 : i32 to index
      %parallel_loop3A_176 = arith.index_cast %parallel_loop3A_27 : i32 to index
      %parallel_loop3A_177 = tpu.vector_load %arg6[%parallel_loop3A_175, %parallel_loop3A_176] {strides = array<i32>} : memref<50x512xi32, #tpu.memory_space<vmem>>, vector<16xi32>,
      %parallel_loop3A_178 = tpu.vector_load_idx %arg5[%parallel_loop3A_177] : memref<10000xf32, #tpu.memory_space<vmem>>[vector<16xi32>], vector<16xf32>,
      %parallel_loop3A_179 = arith.addf %parallel_loop3A_155, %parallel_loop3A_178 : vector<16xf32>
      %parallel_loop3A_180 = arith.constant 24 : i32
      %parallel_loop3A_181 = arith.index_cast %parallel_loop3A_180 : i32 to index
      %parallel_loop3A_182 = arith.index_cast %parallel_loop3A_27 : i32 to index
      %parallel_loop3A_183 = tpu.vector_load %arg6[%parallel_loop3A_181, %parallel_loop3A_182] {strides = array<i32>} : memref<50x512xi32, #tpu.memory_space<vmem>>, vector<16xi32>,
      %parallel_loop3A_184 = tpu.vector_load_idx %arg5[%parallel_loop3A_183] : memref<10000xf32, #tpu.memory_space<vmem>>[vector<16xi32>], vector<16xf32>,
      %parallel_loop3A_185 = arith.addf %parallel_loop3A_161, %parallel_loop3A_184 : vector<16xf32>
      %parallel_loop3A_186 = arith.constant 25 : i32
      %parallel_loop3A_187 = arith.index_cast %parallel_loop3A_186 : i32 to index
      %parallel_loop3A_188 = arith.index_cast %parallel_loop3A_27 : i32 to index
      %parallel_loop3A_189 = tpu.vector_load %arg6[%parallel_loop3A_187, %parallel_loop3A_188] {strides = array<i32>} : memref<50x512xi32, #tpu.memory_space<vmem>>, vector<16xi32>,
      %parallel_loop3A_190 = tpu.vector_load_idx %arg5[%parallel_loop3A_189] : memref<10000xf32, #tpu.memory_space<vmem>>[vector<16xi32>], vector<16xf32>,
      %parallel_loop3A_191 = arith.addf %parallel_loop3A_167, %parallel_loop3A_190 : vector<16xf32>
      %parallel_loop3A_192 = arith.constant 26 : i32
      %parallel_loop3A_193 = arith.index_cast %parallel_loop3A_192 : i32 to index
      %parallel_loop3A_194 = arith.index_cast %parallel_loop3A_27 : i32 to index
      %parallel_loop3A_195 = tpu.vector_load %arg6[%parallel_loop3A_193, %parallel_loop3A_194] {strides = array<i32>} : memref<50x512xi32, #tpu.memory_space<vmem>>, vector<16xi32>,
      %parallel_loop3A_196 = tpu.vector_load_idx %arg5[%parallel_loop3A_195] : memref<10000xf32, #tpu.memory_space<vmem>>[vector<16xi32>], vector<16xf32>,
      %parallel_loop3A_197 = arith.addf %parallel_loop3A_173, %parallel_loop3A_196 : vector<16xf32>
      %parallel_loop3A_198 = arith.constant 27 : i32
      %parallel_loop3A_199 = arith.index_cast %parallel_loop3A_198 : i32 to index
      %parallel_loop3A_200 = arith.index_cast %parallel_loop3A_27 : i32 to index
      %parallel_loop3A_201 = tpu.vector_load %arg6[%parallel_loop3A_199, %parallel_loop3A_200] {strides = array<i32>} : memref<50x512xi32, #tpu.memory_space<vmem>>, vector<16xi32>,
      %parallel_loop3A_202 = tpu.vector_load_idx %arg5[%parallel_loop3A_201] : memref<10000xf32, #tpu.memory_space<vmem>>[vector<16xi32>], vector<16xf32>,
      %parallel_loop3A_203 = arith.addf %parallel_loop3A_179, %parallel_loop3A_202 : vector<16xf32>
      %parallel_loop3A_204 = arith.constant 28 : i32
      %parallel_loop3A_205 = arith.index_cast %parallel_loop3A_204 : i32 to index
      %parallel_loop3A_206 = arith.index_cast %parallel_loop3A_27 : i32 to index
      %parallel_loop3A_207 = tpu.vector_load %arg6[%parallel_loop3A_205, %parallel_loop3A_206] {strides = array<i32>} : memref<50x512xi32, #tpu.memory_space<vmem>>, vector<16xi32>,
      %parallel_loop3A_208 = tpu.vector_load_idx %arg5[%parallel_loop3A_207] : memref<10000xf32, #tpu.memory_space<vmem>>[vector<16xi32>], vector<16xf32>,
      %parallel_loop3A_209 = arith.addf %parallel_loop3A_185, %parallel_loop3A_208 : vector<16xf32>
      %parallel_loop3A_210 = arith.constant 29 : i32
      %parallel_loop3A_211 = arith.index_cast %parallel_loop3A_210 : i32 to index
      %parallel_loop3A_212 = arith.index_cast %parallel_loop3A_27 : i32 to index
      %parallel_loop3A_213 = tpu.vector_load %arg6[%parallel_loop3A_211, %parallel_loop3A_212] {strides = array<i32>} : memref<50x512xi32, #tpu.memory_space<vmem>>, vector<16xi32>,
      %parallel_loop3A_214 = tpu.vector_load_idx %arg5[%parallel_loop3A_213] : memref<10000xf32, #tpu.memory_space<vmem>>[vector<16xi32>], vector<16xf32>,
      %parallel_loop3A_215 = arith.addf %parallel_loop3A_191, %parallel_loop3A_214 : vector<16xf32>
      %parallel_loop3A_216 = arith.constant 30 : i32
      %parallel_loop3A_217 = arith.index_cast %parallel_loop3A_216 : i32 to index
      %parallel_loop3A_218 = arith.index_cast %parallel_loop3A_27 : i32 to index
      %parallel_loop3A_219 = tpu.vector_load %arg6[%parallel_loop3A_217, %parallel_loop3A_218] {strides = array<i32>} : memref<50x512xi32, #tpu.memory_space<vmem>>, vector<16xi32>,
      %parallel_loop3A_220 = tpu.vector_load_idx %arg5[%parallel_loop3A_219] : memref<10000xf32, #tpu.memory_space<vmem>>[vector<16xi32>], vector<16xf32>,
      %parallel_loop3A_221 = arith.addf %parallel_loop3A_197, %parallel_loop3A_220 : vector<16xf32>
      %parallel_loop3A_222 = arith.constant 31 : i32
      %parallel_loop3A_223 = arith.index_cast %parallel_loop3A_222 : i32 to index
      %parallel_loop3A_224 = arith.index_cast %parallel_loop3A_27 : i32 to index
      %parallel_loop3A_225 = tpu.vector_load %arg6[%parallel_loop3A_223, %parallel_loop3A_224] {strides = array<i32>} : memref<50x512xi32, #tpu.memory_space<vmem>>, vector<16xi32>,
      %parallel_loop3A_226 = tpu.vector_load_idx %arg5[%parallel_loop3A_225] : memref<10000xf32, #tpu.memory_space<vmem>>[vector<16xi32>], vector<16xf32>,
      %parallel_loop3A_227 = arith.addf %parallel_loop3A_203, %parallel_loop3A_226 : vector<16xf32>
      %parallel_loop3A_228 = arith.constant 32 : i32
      %parallel_loop3A_229 = arith.index_cast %parallel_loop3A_228 : i32 to index
      %parallel_loop3A_230 = arith.index_cast %parallel_loop3A_27 : i32 to index
      %parallel_loop3A_231 = tpu.vector_load %arg6[%parallel_loop3A_229, %parallel_loop3A_230] {strides = array<i32>} : memref<50x512xi32, #tpu.memory_space<vmem>>, vector<16xi32>,
      %parallel_loop3A_232 = tpu.vector_load_idx %arg5[%parallel_loop3A_231] : memref<10000xf32, #tpu.memory_space<vmem>>[vector<16xi32>], vector<16xf32>,
      %parallel_loop3A_233 = arith.addf %parallel_loop3A_209, %parallel_loop3A_232 : vector<16xf32>
      %parallel_loop3A_234 = arith.constant 33 : i32
      %parallel_loop3A_235 = arith.index_cast %parallel_loop3A_234 : i32 to index
      %parallel_loop3A_236 = arith.index_cast %parallel_loop3A_27 : i32 to index
      %parallel_loop3A_237 = tpu.vector_load %arg6[%parallel_loop3A_235, %parallel_loop3A_236] {strides = array<i32>} : memref<50x512xi32, #tpu.memory_space<vmem>>, vector<16xi32>,
      %parallel_loop3A_238 = tpu.vector_load_idx %arg5[%parallel_loop3A_237] : memref<10000xf32, #tpu.memory_space<vmem>>[vector<16xi32>], vector<16xf32>,
      %parallel_loop3A_239 = arith.addf %parallel_loop3A_215, %parallel_loop3A_238 : vector<16xf32>
      %parallel_loop3A_240 = arith.constant 34 : i32
      %parallel_loop3A_241 = arith.index_cast %parallel_loop3A_240 : i32 to index
      %parallel_loop3A_242 = arith.index_cast %parallel_loop3A_27 : i32 to index
      %parallel_loop3A_243 = tpu.vector_load %arg6[%parallel_loop3A_241, %parallel_loop3A_242] {strides = array<i32>} : memref<50x512xi32, #tpu.memory_space<vmem>>, vector<16xi32>,
      %parallel_loop3A_244 = tpu.vector_load_idx %arg5[%parallel_loop3A_243] : memref<10000xf32, #tpu.memory_space<vmem>>[vector<16xi32>], vector<16xf32>,
      %parallel_loop3A_245 = arith.addf %parallel_loop3A_221, %parallel_loop3A_244 : vector<16xf32>
      %parallel_loop3A_246 = arith.constant 35 : i32
      %parallel_loop3A_247 = arith.index_cast %parallel_loop3A_246 : i32 to index
      %parallel_loop3A_248 = arith.index_cast %parallel_loop3A_27 : i32 to index
      %parallel_loop3A_249 = tpu.vector_load %arg6[%parallel_loop3A_247, %parallel_loop3A_248] {strides = array<i32>} : memref<50x512xi32, #tpu.memory_space<vmem>>, vector<16xi32>,
      %parallel_loop3A_250 = tpu.vector_load_idx %arg5[%parallel_loop3A_249] : memref<10000xf32, #tpu.memory_space<vmem>>[vector<16xi32>], vector<16xf32>,
      %parallel_loop3A_251 = arith.addf %parallel_loop3A_227, %parallel_loop3A_250 : vector<16xf32>
      %parallel_loop3A_252 = arith.constant 36 : i32
      %parallel_loop3A_253 = arith.index_cast %parallel_loop3A_252 : i32 to index
      %parallel_loop3A_254 = arith.index_cast %parallel_loop3A_27 : i32 to index
      %parallel_loop3A_255 = tpu.vector_load %arg6[%parallel_loop3A_253, %parallel_loop3A_254] {strides = array<i32>} : memref<50x512xi32, #tpu.memory_space<vmem>>, vector<16xi32>,
      %parallel_loop3A_256 = tpu.vector_load_idx %arg5[%parallel_loop3A_255] : memref<10000xf32, #tpu.memory_space<vmem>>[vector<16xi32>], vector<16xf32>,
      %parallel_loop3A_257 = arith.addf %parallel_loop3A_233, %parallel_loop3A_256 : vector<16xf32>
      %parallel_loop3A_258 = arith.constant 37 : i32
      %parallel_loop3A_259 = arith.index_cast %parallel_loop3A_258 : i32 to index
      %parallel_loop3A_260 = arith.index_cast %parallel_loop3A_27 : i32 to index
      %parallel_loop3A_261 = tpu.vector_load %arg6[%parallel_loop3A_259, %parallel_loop3A_260] {strides = array<i32>} : memref<50x512xi32, #tpu.memory_space<vmem>>, vector<16xi32>,
      %parallel_loop3A_262 = tpu.vector_load_idx %arg5[%parallel_loop3A_261] : memref<10000xf32, #tpu.memory_space<vmem>>[vector<16xi32>], vector<16xf32>,
      %parallel_loop3A_263 = arith.addf %parallel_loop3A_239, %parallel_loop3A_262 : vector<16xf32>
      %parallel_loop3A_264 = arith.constant 38 : i32
      %parallel_loop3A_265 = arith.index_cast %parallel_loop3A_264 : i32 to index
      %parallel_loop3A_266 = arith.index_cast %parallel_loop3A_27 : i32 to index
      %parallel_loop3A_267 = tpu.vector_load %arg6[%parallel_loop3A_265, %parallel_loop3A_266] {strides = array<i32>} : memref<50x512xi32, #tpu.memory_space<vmem>>, vector<16xi32>,
      %parallel_loop3A_268 = tpu.vector_load_idx %arg5[%parallel_loop3A_267] : memref<10000xf32, #tpu.memory_space<vmem>>[vector<16xi32>], vector<16xf32>,
      %parallel_loop3A_269 = arith.addf %parallel_loop3A_245, %parallel_loop3A_268 : vector<16xf32>
      %parallel_loop3A_270 = arith.constant 39 : i32
      %parallel_loop3A_271 = arith.index_cast %parallel_loop3A_270 : i32 to index
      %parallel_loop3A_272 = arith.index_cast %parallel_loop3A_27 : i32 to index
      %parallel_loop3A_273 = tpu.vector_load %arg6[%parallel_loop3A_271, %parallel_loop3A_272] {strides = array<i32>} : memref<50x512xi32, #tpu.memory_space<vmem>>, vector<16xi32>,
      %parallel_loop3A_274 = tpu.vector_load_idx %arg5[%parallel_loop3A_273] : memref<10000xf32, #tpu.memory_space<vmem>>[vector<16xi32>], vector<16xf32>,
      %parallel_loop3A_275 = arith.addf %parallel_loop3A_251, %parallel_loop3A_274 : vector<16xf32>
      %parallel_loop3A_276 = arith.constant 40 : i32
      %parallel_loop3A_277 = arith.index_cast %parallel_loop3A_276 : i32 to index
      %parallel_loop3A_278 = arith.index_cast %parallel_loop3A_27 : i32 to index
      %parallel_loop3A_279 = tpu.vector_load %arg6[%parallel_loop3A_277, %parallel_loop3A_278] {strides = array<i32>} : memref<50x512xi32, #tpu.memory_space<vmem>>, vector<16xi32>,
      %parallel_loop3A_280 = tpu.vector_load_idx %arg5[%parallel_loop3A_279] : memref<10000xf32, #tpu.memory_space<vmem>>[vector<16xi32>], vector<16xf32>,
      %parallel_loop3A_281 = arith.addf %parallel_loop3A_257, %parallel_loop3A_280 : vector<16xf32>
      %parallel_loop3A_282 = arith.constant 41 : i32
      %parallel_loop3A_283 = arith.index_cast %parallel_loop3A_282 : i32 to index
      %parallel_loop3A_284 = arith.index_cast %parallel_loop3A_27 : i32 to index
      %parallel_loop3A_285 = tpu.vector_load %arg6[%parallel_loop3A_283, %parallel_loop3A_284] {strides = array<i32>} : memref<50x512xi32, #tpu.memory_space<vmem>>, vector<16xi32>,
      %parallel_loop3A_286 = tpu.vector_load_idx %arg5[%parallel_loop3A_285] : memref<10000xf32, #tpu.memory_space<vmem>>[vector<16xi32>], vector<16xf32>,
      %parallel_loop3A_287 = arith.addf %parallel_loop3A_263, %parallel_loop3A_286 : vector<16xf32>
      %parallel_loop3A_288 = arith.constant 42 : i32
      %parallel_loop3A_289 = arith.index_cast %parallel_loop3A_288 : i32 to index
      %parallel_loop3A_290 = arith.index_cast %parallel_loop3A_27 : i32 to index
      %parallel_loop3A_291 = tpu.vector_load %arg6[%parallel_loop3A_289, %parallel_loop3A_290] {strides = array<i32>} : memref<50x512xi32, #tpu.memory_space<vmem>>, vector<16xi32>,
      %parallel_loop3A_292 = tpu.vector_load_idx %arg5[%parallel_loop3A_291] : memref<10000xf32, #tpu.memory_space<vmem>>[vector<16xi32>], vector<16xf32>,
      %parallel_loop3A_293 = arith.addf %parallel_loop3A_269, %parallel_loop3A_292 : vector<16xf32>
      %parallel_loop3A_294 = arith.constant 43 : i32
      %parallel_loop3A_295 = arith.index_cast %parallel_loop3A_294 : i32 to index
      %parallel_loop3A_296 = arith.index_cast %parallel_loop3A_27 : i32 to index
      %parallel_loop3A_297 = tpu.vector_load %arg6[%parallel_loop3A_295, %parallel_loop3A_296] {strides = array<i32>} : memref<50x512xi32, #tpu.memory_space<vmem>>, vector<16xi32>,
      %parallel_loop3A_298 = tpu.vector_load_idx %arg5[%parallel_loop3A_297] : memref<10000xf32, #tpu.memory_space<vmem>>[vector<16xi32>], vector<16xf32>,
      %parallel_loop3A_299 = arith.addf %parallel_loop3A_275, %parallel_loop3A_298 : vector<16xf32>
      %parallel_loop3A_300 = arith.constant 44 : i32
      %parallel_loop3A_301 = arith.index_cast %parallel_loop3A_300 : i32 to index
      %parallel_loop3A_302 = arith.index_cast %parallel_loop3A_27 : i32 to index
      %parallel_loop3A_303 = tpu.vector_load %arg6[%parallel_loop3A_301, %parallel_loop3A_302] {strides = array<i32>} : memref<50x512xi32, #tpu.memory_space<vmem>>, vector<16xi32>,
      %parallel_loop3A_304 = tpu.vector_load_idx %arg5[%parallel_loop3A_303] : memref<10000xf32, #tpu.memory_space<vmem>>[vector<16xi32>], vector<16xf32>,
      %parallel_loop3A_305 = arith.addf %parallel_loop3A_281, %parallel_loop3A_304 : vector<16xf32>
      %parallel_loop3A_306 = arith.constant 45 : i32
      %parallel_loop3A_307 = arith.index_cast %parallel_loop3A_306 : i32 to index
      %parallel_loop3A_308 = arith.index_cast %parallel_loop3A_27 : i32 to index
      %parallel_loop3A_309 = tpu.vector_load %arg6[%parallel_loop3A_307, %parallel_loop3A_308] {strides = array<i32>} : memref<50x512xi32, #tpu.memory_space<vmem>>, vector<16xi32>,
      %parallel_loop3A_310 = tpu.vector_load_idx %arg5[%parallel_loop3A_309] : memref<10000xf32, #tpu.memory_space<vmem>>[vector<16xi32>], vector<16xf32>,
      %parallel_loop3A_311 = arith.addf %parallel_loop3A_287, %parallel_loop3A_310 : vector<16xf32>
      %parallel_loop3A_312 = arith.constant 46 : i32
      %parallel_loop3A_313 = arith.index_cast %parallel_loop3A_312 : i32 to index
      %parallel_loop3A_314 = arith.index_cast %parallel_loop3A_27 : i32 to index
      %parallel_loop3A_315 = tpu.vector_load %arg6[%parallel_loop3A_313, %parallel_loop3A_314] {strides = array<i32>} : memref<50x512xi32, #tpu.memory_space<vmem>>, vector<16xi32>,
      %parallel_loop3A_316 = tpu.vector_load_idx %arg5[%parallel_loop3A_315] : memref<10000xf32, #tpu.memory_space<vmem>>[vector<16xi32>], vector<16xf32>,
      %parallel_loop3A_317 = arith.addf %parallel_loop3A_293, %parallel_loop3A_316 : vector<16xf32>
      %parallel_loop3A_318 = arith.constant 47 : i32
      %parallel_loop3A_319 = arith.index_cast %parallel_loop3A_318 : i32 to index
      %parallel_loop3A_320 = arith.index_cast %parallel_loop3A_27 : i32 to index
      %parallel_loop3A_321 = tpu.vector_load %arg6[%parallel_loop3A_319, %parallel_loop3A_320] {strides = array<i32>} : memref<50x512xi32, #tpu.memory_space<vmem>>, vector<16xi32>,
      %parallel_loop3A_322 = tpu.vector_load_idx %arg5[%parallel_loop3A_321] : memref<10000xf32, #tpu.memory_space<vmem>>[vector<16xi32>], vector<16xf32>,
      %parallel_loop3A_323 = arith.addf %parallel_loop3A_299, %parallel_loop3A_322 : vector<16xf32>
      %parallel_loop3A_324 = arith.constant 48 : i32
      %parallel_loop3A_325 = arith.index_cast %parallel_loop3A_324 : i32 to index
      %parallel_loop3A_326 = arith.index_cast %parallel_loop3A_27 : i32 to index
      %parallel_loop3A_327 = tpu.vector_load %arg6[%parallel_loop3A_325, %parallel_loop3A_326] {strides = array<i32>} : memref<50x512xi32, #tpu.memory_space<vmem>>, vector<16xi32>,
      %parallel_loop3A_328 = tpu.vector_load_idx %arg5[%parallel_loop3A_327] : memref<10000xf32, #tpu.memory_space<vmem>>[vector<16xi32>], vector<16xf32>,
      %parallel_loop3A_329 = arith.addf %parallel_loop3A_305, %parallel_loop3A_328 : vector<16xf32>
      %parallel_loop3A_330 = arith.constant 49 : i32
      %parallel_loop3A_331 = arith.index_cast %parallel_loop3A_330 : i32 to index
      %parallel_loop3A_332 = arith.index_cast %parallel_loop3A_27 : i32 to index
      %parallel_loop3A_333 = tpu.vector_load %arg6[%parallel_loop3A_331, %parallel_loop3A_332] {strides = array<i32>} : memref<50x512xi32, #tpu.memory_space<vmem>>, vector<16xi32>,
      %parallel_loop3A_334 = tpu.vector_load_idx %arg5[%parallel_loop3A_333] : memref<10000xf32, #tpu.memory_space<vmem>>[vector<16xi32>], vector<16xf32>,
      %parallel_loop3A_335 = arith.addf %parallel_loop3A_311, %parallel_loop3A_334 : vector<16xf32>
      %parallel_loop3A_336 = arith.addf %parallel_loop3A_329, %parallel_loop3A_335 : vector<16xf32>
      %parallel_loop3A_337 = arith.addf %parallel_loop3A_317, %parallel_loop3A_323 : vector<16xf32>
      %parallel_loop3A_338 = arith.addf %parallel_loop3A_336, %parallel_loop3A_337 : vector<16xf32>
      %parallel_loop3A_339 = arith.index_cast %parallel_loop3A_27 : i32 to index
      %parallel_loop3A_340 = tpu.vector_load %arg7[%parallel_loop3A_339] {strides = array<i32>} : memref<512xf32, #tpu.memory_space<vmem>>, vector<16xf32>,
      tpu.vector_store %arg7[%parallel_loop3A_339], %parallel_loop3A_338 {strides = array<i32>} : memref<512xf32, #tpu.memory_space<vmem>>, vector<16xf32>,
    } {sc.loop_unroll_factor = 2 : i64, sc.parallel_access}
    "tpu.region"() ({
      %run_scoped3A = tpu.sem_alloc : memref<!tpu.dma_semaphore, #tpu.memory_space<semaphore_mem>>
      %dma_start3A_25 = tpu.memref_slice %arg4[%mul3A_2] : memref<16384xf32, #tpu.memory_space<hbm>> -> memref<512xf32, #tpu.memory_space<hbm>>
      %dma_start3A_26 = tpu.memref_slice %arg4[%mul3A_2] : memref<16384xf32, #tpu.memory_space<hbm>> -> memref<512xf32, #tpu.memory_space<hbm>>
      tpu.enqueue_dma source(%arg7 : memref<512xf32, #tpu.memory_space<vmem>>) target(%dma_start3A_26 : memref<512xf32, #tpu.memory_space<hbm>>) target_semaphore(%run_scoped3A : memref<!tpu.dma_semaphore, #tpu.memory_space<semaphore_mem>>)
      %dma_wait3A_27 = tpu.memref_slice %arg4[%mul3A_2] : memref<16384xf32, #tpu.memory_space<hbm>> -> memref<512xf32, #tpu.memory_space<hbm>>
      %dma_wait3A_28 = tpu.memref_slice %arg4[%mul3A_2] : memref<16384xf32, #tpu.memory_space<hbm>> -> memref<512xf32, #tpu.memory_space<hbm>>
      tpu.wait_dma2 semaphore(%run_scoped3A : memref<!tpu.dma_semaphore, #tpu.memory_space<semaphore_mem>>) src(%arg7 : memref<512xf32, #tpu.memory_space<vmem>>) dst(%dma_wait3A_28 : memref<512xf32, #tpu.memory_space<hbm>>)
      tpu.yield
    }) : () -> ()
    return
  }
}

module attributes {stable_mosaic.version = 14 : i64} {
  func.func @_fold_body(%arg0: memref<10000x64xf32, #tpu.memory_space<vmem>>, %arg1: memref<64x64xf32, #tpu.memory_space<vmem>>, %arg2: memref<1x64xf32, #tpu.memory_space<vmem>>, %arg3: memref<8x64xf32, #tpu.memory_space<vmem>>, %arg4: memref<1x1xf32, #tpu.memory_space<vmem>>, %arg5: memref<1x10000xf32, #tpu.memory_space<vmem>>) attributes {dimension_semantics = [], scalar_prefetch = 0 : i64, scratch_operands = 0 : i64, tpu.core_type = #tpu.core_type<tc>} {
    %get3A = arith.constant 0 : index
    %get3A_0 = arith.constant 0 : index
    %get3A_1 = vector.load %arg3[%get3A, %get3A_0] : memref<8x64xf32, #tpu.memory_space<vmem>>, vector<8x64xf32>
    %get3A_2 = arith.constant 0 : index
    %get3A_3 = arith.constant 0 : index
    %get3A_4 = vector.load %arg1[%get3A_2, %get3A_3] : memref<64x64xf32, #tpu.memory_space<vmem>>, vector<64x64xf32>
    %dot_general3A = arith.constant dense<0.000000e+00> : vector<8x64xf32>
    %dot_general3A_5 = tpu.matmul %get3A_1, %get3A_4, %dot_general3A {dimension_numbers = #tpu.dot_dimension_numbers<[1], [0], [0], [1], [0, 0, 1, 1], [], []>, transpose_lhs_hint = false} : vector<8x64xf32>, vector<64x64xf32>, vector<8x64xf32> -> vector<8x64xf32>
    %get3A_6 = arith.constant 0 : index
    %get3A_7 = arith.constant 0 : index
    %get3A_8 = vector.load %arg2[%get3A_6, %get3A_7] : memref<1x64xf32, #tpu.memory_space<vmem>>, vector<1x64xf32>
    %get3A_9 = arith.constant 0 : index
    %get3A_10 = arith.constant 0 : index
    %get3A_11 = vector.load %arg3[%get3A_9, %get3A_10] : memref<8x64xf32, #tpu.memory_space<vmem>>, vector<1x64xf32>
    %mul3A = arith.mulf %get3A_8, %get3A_11 : vector<1x64xf32>
    %reduce_sum3A = vector.shape_cast %mul3A : vector<1x64xf32> to vector<1x1x64xf32>
    %reduce_sum3A_12 = arith.constant dense<0.000000e+00> : vector<1xf32>
    %reduce_sum3A_13 = vector.multi_reduction <add>, %reduce_sum3A, %reduce_sum3A_12 [1, 2] : vector<1x1x64xf32> to vector<1xf32>
    %reduce_sum3A_14 = vector.shape_cast %reduce_sum3A_13 : vector<1xf32> to vector<1x1x1xf32>
    %reduce_sum3A_15 = vector.extract %reduce_sum3A_14[0, 0, 0] : f32 from vector<1x1x1xf32>
    %get3A_16 = arith.constant 0 : index
    %get3A_17 = arith.constant 0 : index
    %get3A_18 = vector.load %arg4[%get3A_16, %get3A_17] : memref<1x1xf32, #tpu.memory_space<vmem>>, vector<1x1xf32>
    %get3A_19 = vector.extract %get3A_18[0, 0] : f32 from vector<1x1xf32>
    %add3A = arith.addf %reduce_sum3A_15, %get3A_19 : f32
    %get3A_20 = arith.constant 0 : index
    %get3A_21 = arith.constant 0 : index
    %get3A_22 = vector.load %arg0[%get3A_20, %get3A_21] : memref<10000x64xf32, #tpu.memory_space<vmem>>, vector<10000x64xf32>
    %dot_general3A_23 = arith.constant dense<0.000000e+00> : vector<8x10000xf32>
    %dot_general3A_24 = tpu.matmul %dot_general3A_5, %get3A_22, %dot_general3A_23 {dimension_numbers = #tpu.dot_dimension_numbers<[1], [1], [0], [0], [0, 0, 1, 0], [], []>, transpose_lhs_hint = false} : vector<8x64xf32>, vector<10000x64xf32>, vector<8x10000xf32> -> vector<8x10000xf32>
    %slice3A = vector.extract_strided_slice %dot_general3A_24 {offsets = [0, 0], sizes = [1, 10000], strides = [1, 1]} : vector<8x10000xf32> to vector<1x10000xf32>
    %add3A_25 = vector.broadcast %add3A : f32 to vector<1x10000xf32>
    %add3A_26 = arith.addf %slice3A, %add3A_25 : vector<1x10000xf32>
    %mul3A_27 = arith.constant 2.000000e-02 : f32
    %mul3A_28 = vector.broadcast %mul3A_27 : f32 to vector<1x10000xf32>
    %mul3A_29 = arith.mulf %add3A_26, %mul3A_28 : vector<1x10000xf32>
    %swap3A = arith.constant 0 : index
    %swap3A_30 = arith.constant 0 : index
    %swap3A_31 = vector.load %arg5[%swap3A, %swap3A_30] : memref<1x10000xf32, #tpu.memory_space<vmem>>, vector<1x10000xf32>
    tpu.vector_store %arg5[%swap3A, %swap3A_30], %mul3A_29 {strides = array<i32>} : memref<1x10000xf32, #tpu.memory_space<vmem>>, vector<1x10000xf32>,
    return
  }
}

</mosaic_0001>

<sc_bundles>
// kernel: kernel.4.cloned.1.call-start
scs
__scs_entry_jumppad:
0x0: {  	(pc) =	sbr.rel $0x88, $3  }
0x1: {  	(tag) =	ssettag $0x0;
	lr =	simm.s32 $0x1  }
0x2: {  	[smem:$0x3F9B] =	sst lr;
	_ =	strace $0xD0000000  }
0x3: {  	_ = 	snop  }
0x4: {  	_ = 	snop  }
0x5: {  	_ = 	snop  }
0x6: {  	_ = 	snop  }
0x7: {  	_ = 	snop  }
__scs_overlays_trampoline_lowered:
0x8: {  	[smem:$0x3FAA] =	sst s0  }
0x9: {  	[smem:$0x3FAB] =	sst s1  }
0xa: {  	[smem:$0x3FAC] =	sst s2  }
0xb: {  	[smem:$0x3FAD] =	sst s3  }
0xc: {  	[smem:$0x3FAE] =	sst s4  }
0xd: {  	[smem:$0x3FAF] =	sst s5  }
0xe: {  	[smem:$0x3FB0] =	sst s6  }
0xf: {  	[smem:$0x3FB1] =	sst s7  }
0x10: {  	[smem:$0x3FB2] =	sst s8  }
0x11: {  	[smem:$0x3FB3] =	sst s9;
	s0 =	simm.s32 @!p0 $0x0  }
0x12: {  	s1 =	sld [smem:$0x3F99];
	s0 =	simm.s32 @p0 $0x1  }
0x13: {  	[smem:$0x3FB4] =	sst s0;
	s0 =	simm.s32 @!p1 $0x0  }
0x14: {  	s2 =	sld [smem:$0x3F98];
	s0 =	simm.s32 @p1 $0x1  }
0x15: {  	[smem:$0x3FB5] =	sst s0;
	s0 =	simm.s32 @!p2 $0x0  }
0x16: {  	s3 =	sld [smem:$0x3FDB];
	s0 =	simm.s32 @p2 $0x1  }
0x17: {  	s4 =	simm.s32 $0x1BF5;
	[smem:$0x3FB7] =	sst s0  }
0x18: {  	s0 =	sld [smem:$0x3F9A];
	_ =	swait.ge [sflag:s4], $0x0  }
0x19: {  	s7 =	sld [smem:$0x3F9B]  }
0x1a: {  	s8 =	sadd.s32 $0xFFFFE003, lr  }
0x1b: {  	s9 =	sadd.s32 $0xFFFFFEF7, lr;
	s5 =	simm.s32 $0xFFFFFFFF;
	p2 =	slt.u32 s8, $0xFFFFF086  }
0x1c: {  	p1 =	slt.u32 s9, $0xF7A;
	s5 =	simm.s32 @!p2 $0x0  }
0x1d: {  	s5 =	simm.s32 @p1 $0x1;
	p0 =	seq.s32 s7, s2  }
0x1e: {  	s7 =	smul.u32 @!p0 $0xF7A, s2;
	p2 =	seq.s32 @!p0 s5, $0x0  }
0x1f: {  	s9 =	smul.u32 $0xF7A, s1;
	s8 =	simm.s32 @!p0 $0x1BF5;
	p2 =	por !p2, p0  }
0x20: {  	[sflag:s8] =	ssyncset.s32 @!p0 $0xFFFFF086;
	s6 =	sadd.s32 @!p0 s3, s7;
	s7 =	simm.s32 @!p0 $0x108  }
0x21: {  	s3 =	sadd.s32 s3, s9;
	s6 =	sadd.s32 @!p0 $0x88, s6;
	s7 =	simm.s32 @p2 $0x1082  }
0x22: {  	[simem:s7], [sflag:s8] =	dma.local @!p0 [hbm:s6], $0xF7A  }
0x23: {  	s9 =	sor.u32 $0xD0000000, s2;
	s6 =	simm.s32 $0x108;
	_ =	swait.ge @!p0 [sflag:s8], $0x0  }
0x24: {  	s3 =	sadd.s32 $0x88, s3;
	s6 =	simm.s32 @!p1 $0x1082;
	[sflag:s4] =	ssyncset.s32 $0xFFFFF086  }
0x25: {  	[simem:s6], [sflag:s4] =	dma.local [hbm:s3], $0xF7A  }
0x26: {  	[smem:$0x3F9B] =	sst s1;
	(tag) =	ssettag s2;
	_ =	strace s9  }
0x27: {  	s1 =	sld [smem:$0x3FAB]  }
0x28: {  	s2 =	sld [smem:$0x3FAC]  }
0x29: {  	s4 =	sld [smem:$0x3FAE]  }
0x2a: {  	p0 =	seq.s32 s5, $0x0;
	s5 =	sld [smem:$0x3FAF]  }
0x2b: {  	s6 =	sld [smem:$0x3FB0]  }
0x2c: {  	s7 =	sld [smem:$0x3FB1]  }
0x2d: {  	s3 =	simm.s32 $0x108;
	s8 =	sld [smem:$0x3FB2]  }
0x2e: {  	s3 =	simm.s32 @!p0 $0x1082;
	s9 =	sld [smem:$0x3FB3]  }
0x2f: {  	lr =	sadd.s32 s0, s3;
	s0 =	sld [smem:$0x3FAA]  }
0x30: {  	s3 =	sld [smem:$0x3FAD]  }
0x31: {  	[smem:$0x3FB6] =	sst s10  }
0x32: {  	s10 =	sld [smem:$0x3FB4];
	_ =	sdelay $0x3  }
0x33: {  	p0 =	seq.s32 s10, $0x1;
	s10 =	sld [smem:$0x3FB6];
	_ =	sdelay $0x3  }
0x34: {  	[smem:$0x3FB6] =	sst s10  }
0x35: {  	s10 =	sld [smem:$0x3FB5];
	_ =	sdelay $0x3  }
0x36: {  	p1 =	seq.s32 s10, $0x1;
	s10 =	sld [smem:$0x3FB6];
	_ =	sdelay $0x3  }
0x37: {  	[smem:$0x3FB6] =	sst s10  }
0x38: {  	s10 =	sld [smem:$0x3FB7]  }
0x39: {  	_ = 	snop;
	(pc) =	sbr.ind lr, $3  }
0x3a: {  	_ = 	snop  }
0x3b: {  	_ = 	snop  }
0x3c: {  	p2 =	seq.s32 s10, $0x1;
	s10 =	sld [smem:$0x3FB6]  }
0x3d: {  	_ =	shalt  }
0x3e: {  	_ =	shalt  }
0x3f: {  	_ =	shalt  }
0x40: {  	_ =	shalt  }
0x41: {  	_ =	shalt  }
0x42: {  	_ =	shalt  }
0x43: {  	_ =	shalt  }
0x44: {  	_ =	shalt  }
0x45: {  	_ =	shalt  }
0x46: {  	_ =	shalt  }
0x47: {  	_ =	shalt  }
0x48: {  	_ =	shalt  }
0x49: {  	_ =	shalt  }
0x4a: {  	_ =	shalt  }
0x4b: {  	_ =	shalt  }
0x4c: {  	_ =	shalt  }
0x4d: {  	_ =	shalt  }
0x4e: {  	_ =	shalt  }
0x4f: {  	_ =	shalt  }
0x50: {  	_ =	shalt  }
0x51: {  	_ =	shalt  }
0x52: {  	_ =	shalt  }
0x53: {  	_ =	shalt  }
0x54: {  	_ =	shalt  }
0x55: {  	_ =	shalt  }
0x56: {  	_ =	shalt  }
0x57: {  	_ =	shalt  }
0x58: {  	_ =	shalt  }
0x59: {  	_ =	shalt  }
0x5a: {  	_ =	shalt  }
0x5b: {  	_ =	shalt  }
0x5c: {  	_ =	shalt  }
0x5d: {  	_ =	shalt  }
0x5e: {  	_ =	shalt  }
0x5f: {  	_ =	shalt  }
0x60: {  	_ =	shalt  }
0x61: {  	_ =	shalt  }
0x62: {  	_ =	shalt  }
0x63: {  	_ =	shalt  }
0x64: {  	_ =	shalt  }
0x65: {  	_ =	shalt  }
0x66: {  	_ =	shalt  }
0x67: {  	_ =	shalt  }
0x68: {  	_ =	shalt  }
0x69: {  	_ =	shalt  }
0x6a: {  	_ =	shalt  }
0x6b: {  	_ =	shalt  }
0x6c: {  	_ =	shalt  }
0x6d: {  	_ =	shalt  }
0x6e: {  	_ =	shalt  }
0x6f: {  	_ =	shalt  }
0x70: {  	_ =	shalt  }
0x71: {  	_ =	shalt  }
0x72: {  	_ =	shalt  }
0x73: {  	_ =	shalt  }
0x74: {  	_ =	shalt  }
0x75: {  	_ =	shalt  }
0x76: {  	_ =	shalt  }
0x77: {  	_ =	shalt  }
0x78: {  	_ =	shalt  }
0x79: {  	_ =	shalt  }
0x7a: {  	_ =	shalt  }
0x7b: {  	_ =	shalt  }
0x7c: {  	_ =	shalt  }
0x7d: {  	_ =	shalt  }
0x7e: {  	_ =	shalt  }
0x7f: {  	_ =	shalt  }
0x80: {  	_ =	shalt  }
0x81: {  	_ =	shalt  }
0x82: {  	_ =	shalt  }
0x83: {  	_ =	shalt  }
0x84: {  	_ =	shalt  }
0x85: {  	_ =	shalt  }
0x86: {  	_ =	shalt  }
0x87: {  	_ =	shalt  }
.Lfunc_end0:
.L_simem_size_0:
called_computation_lowered:
.L_overlay_start_0:
0x88: {  	s2 =	sld [smem:$0x3FD9]  }
0x89: {  	s3 =	sld [smem:$0x3FFE];
	_ =	sdelay $0x1  }
0x8a: {  	s1 =	srdreg.scid  }
0x8b: {  	s0 =	sand.u32 $0x1, s1  }
0x8c: {  	s17 =	sshll.u32 s0, $0xA;
	s2 =	sadd.s32 s3, s2  }
0x8d: {  	s2 =	sadd.s32 s2, s17  }
0x8e: {  	[smem:$0x3FC2] =	sst s2  }
0x8f: {  	_ = 	snop  }
0x90: {  	s2 =	sld [smem:$0x3FC9]  }
0x91: {  	s18 =	sld [smem:$0x3FD0];
	(tm) =	ssettm $0x1  }
0x92: {  	s4 =	sld [smem:$0x3FFB];
	_ =	sdelay $0x3  }
0x93: {  	_ =	strace s4  }
0x94: {  	s4 =	sld [smem:$0x3FFC];
	_ =	sdelay $0x3  }
0x95: {  	_ =	strace s4  }
0x96: {  	s4 =	sld [smem:$0x3FFD];
	_ =	sdelay $0x3  }
0x97: {  	_ =	strace s4  }
0x98: {  	_ =	strace $0x8FFFFFFF  }
0x99: {  	s19 =	sld [smem:$0x3FDB];
	_ =	sdelay $0x1  }
0x9a: {  	s5 =	simm.s32 $_scs_section_size  }
0x9b: {  	s6 =	simm.s32 $_size__tile_overlayer_lowered;
	s7 =	simm.s32 $_tile_overlayer_lowered  }
0x9c: {  	s22 =	simm.s32 $0x1BFF;
	s21 =	sshll.u32 s7, $0x1;
	s4 =	sadd.s32 s5, s19  }
0x9d: {  	s8 =	simm.s32 $0x0;
	s20 =	sshll.u32 s6, $0x1;
	s6 =	sadd.s32 s21, s4  }
0x9e: {  	[timem:s8], [sflag:s22] =	dma.local [hbm:s6], s20  }
0x9f: {  	_ =	swait.ge [sflag:s22], s20  }
0xa0: {  	s5 =	ssub.s32 $0x0, s20;
	[sflag:s22] =	ssyncset.done $0x0  }
0xa1: {  	[sflag:s22] =	ssyncadd.s32 s5;
	_ =	sdelay $0x1  }
0xa2: {  	s23 =	simm.s32 $0x1B8B  }
0xa3: {  	_ =	swait.ge [sflag:s23], $0x1  }
0xa4: {  	[sflag:s23] =	ssyncset.done $0x0  }
0xa5: {  	s25 =	simm.s32 $0x1B8E;
	s24 =	sld [smem:$0x3FFE];
	[sflag:s23] =	ssyncadd.s32 $0xFFFFFFFF  }
0xa6: {  	s26 =	simm.s32 $execute0_lowered;
	[smem:$0x3FD2] =	sst s25  }
0xa7: {  	s6 =	sshll.u32 s26, $0x1;
	_ =	strace $0x80000046;
	[dreg:$0x1] =	wrdreg $0xFFFFFFFF  }
0xa8: {  	s28 =	simm.s32 $_size_execute0_lowered;
	s4 =	sadd.s32 s4, s6;
	[dreg:$0x0] =	wrdreg $0x0  }
0xa9: {  	s6 =	sshll.u32 s28, $0x1;
	[dreg:$0x2] =	wrdreg s4  }
0xaa: {  	[dreg:$0x3] =	wrdreg s6  }
0xab: {  	[dreg:$0x4] =	wrdreg $0xC0  }
0xac: {  	_ =	task [dreg:s8], $0x5FFFF  }
0xad: {  	[dreg:$0x1] =	wrdreg $0xFFFFFFFF  }
0xae: {  	[dreg:$0x0] =	wrdreg $0x60  }
0xaf: {  	[dreg:$0x2] =	wrdreg s24  }
0xb0: {  	[dreg:$0x3] =	wrdreg s2  }
0xb1: {  	[dreg:$0x4] =	wrdreg s18  }
0xb2: {  	[dreg:$0x5] =	wrdreg $0x9  }
0xb3: {  	_ =	task.clear_ibuf [dreg:s8], $0x6FFFF;
	_ =	strace $0x90000046  }
0xb4: {  	s29 =	simm.s32 $0x9;
	_ =	strace $0x80000048  }
0xb5: {  	_ =	swait.ge [sflag:s29], $0x1  }
0xb6: {  	[sflag:s29] =	ssyncadd.s32 $0xFFFFFFFF  }
0xb7: {  	_ =	strace $0x90000048  }
0xb8: {  	_ =	sfence  }
0xb9: {  	s30 =	sld [smem:$0x0];
	_ =	sdelay $0x2  }
0xba: {  	s31 =	sshll.u32 s1, $0xD;
	s1 =	sshrl.u32 s1, $0x2  }
0xbb: {  	s3 =	sand.u32 $0x4000, s31;
	s1 =	sadd.s32 s1, s30  }
0xbc: {  	s0 =	sor.u32 s3, s0;
	s1 =	sshll.u32 s1, $0x11  }
0xbd: {  	s0 =	sor.u32 s1, s0  }
0xbe: {  	s0 =	sadd.s32 $0x8F2B, s0  }
0xbf: {  	[sflag:s0] =	ssyncadd.remote.s32 $0x1  }
0xc0: {  	_ =	sfence.sel $0xFFFF  }
0xc1: {  	[dreg:$0x0] =	wrdreg $0xFFFFFFFF;
	(pc) =	sbr.abs _section_cstart, $3  }
0xc2: {  	[dreg:$0x1] =	wrdreg $0xFFFFFFFF  }
0xc3: {  	_ =	task.clear_ibuf [dreg:s8], $0x2FFFF;
	_ =	strace $0x9FFFFFFF  }
0xc4: {  	(tm) =	ssettm $0x7FFFFFFF  }
0xc5: {  	_ =	shalt  }
tec
execute0_lowered:
.L_overlay_start_1:
0x0: {  	(tag) =	ssettag $0x1  }
0x1: {  	s0 =	rddreg [dreg:$0x0]  }
0x2: {  	s1 =	rddreg [dreg:$0x1]  }
0x3: {  	s3 =	rddreg [dreg:$0x2]  }
0x4: {  	s4 =	srdreg.scid;
	s2 =	simm.s32 $0x0;
	s5 =	stileid.u32  }
0x5: {  	s4 =	sand.u32 $0x1, s4;
	[smem:$0x7FF] =	sst s2;
	s5 =	sshll.u32 s5, $0xA  }
0x6: {  	s0 =	sadd.s32 $0xC00, s0;
	s6 =	sshll.u32 s4, $0x9;
	_ =	strace $0x80000047  }
0x7: {  	s4 =	ssub.s32 $0x2, s4;
	[dreg:$0x19] =	wrdreg s0;
	s5 =	sor.u32 s6, s5  }
0x8: {  	s30 =	sshrl.u32 s4, $0x1;
	s6 =	sshrl.u32 s5, $0x3;
	s1 =	sadd.s32 s1, s5  }
0x9: {  	s0 =	ssub.s32 s4, s30;
	[dreg:$0x1a] =	wrdreg s1;
	s31 =	sadd.s32 s3, s6  }
0xa: {  	s0 =	smax.u32 s0, $0x1;
	[dreg:$0x1b] =	wrdreg s31  }
0xb: {  	s3 =	simm.s32 $0x0;
	[dreg:$0x1c] =	wrdreg s0  }
.LBB2_1:
0xc: {  	[dreg:$0x1d] =	wrdreg s3  }
0xd: {  	s0 =	rddreg [dreg:$0x19]  }
0xe: {  	s14 =	rddreg [dreg:$0x1a];
	s1 =	simm.s32 $0x1000  }
0xf: {  	[tilespmem:s2], [sflag:$0x1] =	stream.linear.gather [hbm4b:s0+s2], $0x2780, $0x38;
	[tilespmem:$0x9980] =	vst v63  }
0x10: {  	s15 =	simm.s32 $0x20000;
	s4 =	simm.s32 $0x2780;
	s16 =	simm.s32 $0x1  }
0x11: {  	[tilespmem:s4], [sflag:$0x2] =	stream.strided.gather [hbm4b:s14+s1], $0x7000, s15, s1, $0x38;
	[tilespmem:$0x9980] =	vst v63  }
0x12: {  	_ =	swait.ge [sflag:s16], $0x2780  }
0x13: {  	s17 =	simm.s32 $0x2;
	[sflag:s16] =	ssyncset.done $0x0  }
0x14: {  	s23 =	sand.u32 $0xC00, s2;
	s0 =	sand.u32 $0x60, s2;
	[sflag:s16] =	ssyncadd.s32 $0xFFFFD880  }
0x15: {  	s18 =	sadd.s32 $0x7A80, s23;
	s5 =	sadd.s32 $0x7B00, s23;
	_ =	swait.ge [sflag:s17], $0x7000  }
0x16: {  	s20 =	sadd.s32 $0x8780, s23;
	s22 =	sadd.s32 $0x8800, s23;
	[smem:$0x7EB] =	sst s18  }
0x17: {  	s15 =	sor.u32 $0x10, s0;
	[sflag:s17] =	ssyncset.done $0x0;
	[smem:$0x7EC] =	sst s5  }
0x18: {  	s19 =	sor.u32 s15, s18;
	[smem:$0x7ED] =	sst s20;
	[sflag:s17] =	ssyncadd.s32 $0xFFFF9000  }
0x19: {  	s25 =	sadd.s32 $0x7880, s23;
	s21 =	sor.u32 s15, s5;
	v0 =	vld [tilespmem:s19+$0x0];
	[smem:$0x7EE] =	sst s22  }
0x1a: {  	s28 =	sadd.s32 $0x7900, s23;
	s24 =	sor.u32 s15, s20;
	v1 =	vld [tilespmem:s21+$0x0];
	[smem:$0x7E7] =	sst s25  }
0x1b: {  	s31 =	sadd.s32 $0x7980, s23;
	s26 =	sor.u32 s15, s22;
	v31 =	vld [tilespmem:s24+$0x0];
	[smem:$0x7E8] =	sst s28  }
0x1c: {  	s7 =	sadd.s32 $0x7A00, s23;
	s30 =	sor.u32 s15, s25;
	v33 =	vld [tilespmem:s26+$0x0];
	[smem:$0x7E9] =	sst s31  }
0x1d: {  	s9 =	sadd.s32 $0x6A80, s23;
	s6 =	sor.u32 s15, s28;
	v2 =	vld [tilespmem:s30+$0x0];
	[smem:$0x7EA] =	sst s7  }
0x1e: {  	s11 =	sadd.s32 $0x6B00, s23;
	s8 =	sor.u32 s15, s31;
	v3 =	vld [tilespmem:s6+$0x0];
	[smem:$0x7E3] =	sst s9  }
0x1f: {  	s13 =	sadd.s32 $0x7780, s23;
	s10 =	sor.u32 s15, s7;
	v28 =	vld [tilespmem:s8+$0x0];
	[smem:$0x7E4] =	sst s11  }
0x20: {  	s12 =	sor.u32 s15, s9;
	s16 =	sadd.s32 $0x7800, s23;
	v32 =	vld [tilespmem:s10+$0x0];
	[smem:$0x7E5] =	sst s13  }
0x21: {  	s14 =	sor.u32 s15, s11;
	s18 =	sadd.s32 $0x6880, s23;
	v4 =	vld [tilespmem:s12+$0x0];
	[smem:$0x7E6] =	sst s16  }
0x22: {  	s20 =	sadd.s32 $0x6900, s23;
	s17 =	sor.u32 s15, s13;
	v5 =	vld [tilespmem:s14+$0x0];
	[smem:$0x7DF] =	sst s18  }
0x23: {  	s19 =	sor.u32 s15, s16;
	s22 =	sadd.s32 $0x6980, s23;
	v27 =	vld [tilespmem:s17+$0x0];
	[smem:$0x7E0] =	sst s20  }
0x24: {  	s21 =	sor.u32 s15, s18;
	s25 =	sadd.s32 $0x6A00, s23;
	v34 =	vld [tilespmem:s19+$0x0];
	[smem:$0x7E1] =	sst s22  }
0x25: {  	s24 =	sor.u32 s15, s20;
	v6 =	vld [tilespmem:s21+$0x0];
	[smem:$0x7E2] =	sst s25  }
0x26: {  	s26 =	sor.u32 s15, s22;
	v7 =	vld [tilespmem:s24+$0x0]  }
0x27: {  	s28 =	sor.u32 s15, s25;
	s19 =	sadd.s32 $0x5A80, s23;
	v24 =	vld [tilespmem:s26+$0x0]  }
0x28: {  	s20 =	sadd.s32 $0x5B00, s23;
	s30 =	sor.u32 s15, s19;
	v25 =	vld [tilespmem:s28+$0x0]  }
0x29: {  	s31 =	sor.u32 s15, s20;
	s22 =	sadd.s32 $0x6800, s23;
	v9 =	vld [tilespmem:s30+$0x0]  }
0x2a: {  	s29 =	sadd.s32 $0x4A80, s23;
	s4 =	sor.u32 s15, s22;
	v10 =	vld [tilespmem:s31+$0x0]  }
0x2b: {  	s9 =	sor.u32 s15, s29;
	s17 =	sadd.s32 $0x5800, s23;
	v23 =	vld [tilespmem:s4+$0x0]  }
0x2c: {  	s12 =	sor.u32 s15, s17;
	s21 =	sadd.s32 $0x6780, s23;
	v14 =	vld [tilespmem:s9+$0x0]  }
0x2d: {  	s25 =	sadd.s32 $0x5900, s23;
	s3 =	sor.u32 s15, s21;
	v17 =	vld [tilespmem:s12+$0x0]  }
0x2e: {  	s24 =	sadd.s32 $0x5880, s23;
	s6 =	sor.u32 s15, s25;
	v22 =	vld [tilespmem:s3+$0x0]  }
0x2f: {  	s26 =	sadd.s32 $0x5980, s23;
	s5 =	sor.u32 s15, s24;
	v12 =	vld [tilespmem:s6+$0x0]  }
0x30: {  	s28 =	sadd.s32 $0x5A00, s23;
	s7 =	sor.u32 s15, s26;
	v11 =	vld [tilespmem:s5+$0x0]  }
0x31: {  	s4 =	sadd.s32 $0x4A00, s23;
	s8 =	sor.u32 s15, s28;
	v18 =	vld [tilespmem:s7+$0x0]  }
0x32: {  	s30 =	sadd.s32 $0x4B00, s23;
	v19 =	vld [tilespmem:s8+$0x0];
	s8 =	sor.u32 s15, s4  }
0x33: {  	s10 =	sor.u32 s15, s30;
	v36 =	vld [tilespmem:s8+$0x0];
	s8 =	sadd.s32 $0x3B00, s23  }
0x34: {  	s31 =	sadd.s32 $0x5780, s23;
	v15 =	vld [tilespmem:s10+$0x0];
	s10 =	sor.u32 s15, s8  }
0x35: {  	s11 =	sor.u32 s15, s31;
	v40 =	vld [tilespmem:s10+$0x0];
	s10 =	sadd.s32 $0x4800, s23  }
0x36: {  	s6 =	sadd.s32 $0x4900, s23;
	v16 =	vld [tilespmem:s11+$0x0];
	s12 =	sor.u32 s15, s10  }
0x37: {  	s14 =	sor.u32 s15, s6;
	v39 =	vld [tilespmem:s12+$0x0];
	s12 =	sadd.s32 $0x3900, s23  }
0x38: {  	s3 =	sadd.s32 $0x3A80, s23;
	v21 =	vld [tilespmem:s14+$0x0];
	s14 =	sor.u32 s15, s12  }
0x39: {  	s7 =	sadd.s32 $0x4880, s23;
	s9 =	sor.u32 s15, s3;
	v8 =	vld [tilespmem:s14+$0x0]  }
0x3a: {  	s13 =	sor.u32 s15, s7;
	v37 =	vld [tilespmem:s9+$0x0];
	s9 =	sadd.s32 $0x4780, s23  }
0x3b: {  	s5 =	sadd.s32 $0x4980, s23;
	v20 =	vld [tilespmem:s13+$0x0];
	s11 =	sor.u32 s15, s9  }
0x3c: {  	s16 =	sor.u32 s15, s5;
	v38 =	vld [tilespmem:s11+$0x0];
	s11 =	sadd.s32 $0x3880, s23  }
0x3d: {  	v13 =	vld [tilespmem:s16+$0x0];
	s13 =	sor.u32 s15, s11;
	s14 =	sadd.s32 $0x3A00, s23  }
0x3e: {  	s1 =	sadd.s32 $0x3780, s23;
	v51 =	vld [tilespmem:s13+$0x0];
	s18 =	sor.u32 s15, s14;
	[tilespmem:$0x1F490] =	vst v8  }
0x3f: {  	v45 =	vld [tilespmem:s18+$0x0];
	s18 =	sor.u32 s15, s1  }
0x40: {  	v8 =	vld [tilespmem:s18+$0x0];
	_ =	sdelay $0x1  }
0x41: {  	s13 =	sadd.s32 $0x3980, s23  }
0x42: {  	s16 =	sor.u32 s15, s13  }
0x43: {  	v41 =	vld [tilespmem:s16+$0x0];
	s16 =	sadd.s32 $0x3800, s23  }
0x44: {  	s18 =	sadd.s32 $0x2780, s23;
	s23 =	sor.u32 s15, s16;
	[tilespmem:$0x1F510] =	vst v8  }
0x45: {  	v8 =	vld [tilespmem:s23+$0x0];
	_ =	sdelay $0x4  }
0x46: {  	s23 =	sor.u32 s15, s18;
	[tilespmem:$0x1F520] =	vst v8  }
0x47: {  	v8 =	vld [tilespmem:s23+$0x300];
	_ =	sdelay $0x4  }
0x48: {  	[tilespmem:$0x1F4A0] =	vst v8  }
0x49: {  	v8 =	vld [tilespmem:s23+$0x380];
	_ =	sdelay $0x4  }
0x4a: {  	[tilespmem:$0x1F4B0] =	vst v8  }
0x4b: {  	v8 =	vld [tilespmem:s23+$0x100];
	_ =	sdelay $0x4  }
0x4c: {  	[tilespmem:$0x1F4C0] =	vst v8  }
0x4d: {  	v8 =	vld [tilespmem:s23+$0x180];
	_ =	sdelay $0x4  }
0x4e: {  	[tilespmem:$0x1F4D0] =	vst v8  }
0x4f: {  	v8 =	vld [tilespmem:s23+$0x280];
	_ =	sdelay $0x4  }
0x50: {  	v55 =	vld [tilespmem:s23+$0x200];
	[tilespmem:$0x1F500] =	vst v8  }
0x51: {  	v8 =	vld [tilespmem:s23+$0x0];
	_ =	sdelay $0x4  }
0x52: {  	[tilespmem:$0x1F4E0] =	vst v8  }
0x53: {  	v8 =	vld [tilespmem:s23+$0x80];
	_ =	sdelay $0x4  }
0x54: {  	s18 =	sor.u32 s0, s18;
	[tilespmem:$0x1F4F0] =	vst v8  }
0x55: {  	v42 =	vld [tilespmem:s18+$0x0]  }
0x56: {  	v43 =	vld [tilespmem:s18+$0x80]  }
0x57: {  	v46 =	vld [tilespmem:s18+$0x100]  }
0x58: {  	v47 =	vld [tilespmem:s18+$0x180]  }
0x59: {  	v48 =	vld [tilespmem:s18+$0x200]  }
0x5a: {  	v49 =	vld [tilespmem:s18+$0x280]  }
0x5b: {  	v53 =	vld [tilespmem:s18+$0x300]  }
0x5c: {  	s1 =	sor.u32 s0, s1;
	v56 =	vld [tilespmem:s18+$0x380]  }
0x5d: {  	v57 =	vld [tilespmem:s1+$0x0];
	s18 =	sor.u32 s0, s11;
	s11 =	sor.u32 s0, s13;
	s13 =	sor.u32 s0, s3  }
0x5e: {  	s16 =	sor.u32 s0, s16;
	v8 =	vld [tilespmem:s13+$0x0]  }
0x5f: {  	s23 =	sor.u32 s0, s12;
	v58 =	vld [tilespmem:s16+$0x0]  }
0x60: {  	s12 =	sor.u32 s0, s14;
	v60 =	vld [tilespmem:s23+$0x0]  }
0x61: {  	v63 =	vld [tilespmem:s12+$0x0]  }
0x62: {  	v59 =	vld [tilespmem:s18+$0x0]  }
0x63: {  	s14 =	sor.u32 s0, s8;
	v62 =	vld [tilespmem:s11+$0x0];
	[tilespmem:$0x1F530] =	vst v8  }
0x64: {  	v8 =	vld [tilespmem:s14+$0x0];
	_ =	sdelay $0x4  }
0x65: {  	s16 =	sor.u32 s0, s9;
	[tilespmem:$0x1F540] =	vst v8  }
0x66: {  	v8 =	vld [tilespmem:s16+$0x0];
	_ =	sdelay $0x4  }
0x67: {  	s18 =	sor.u32 s0, s10;
	[tilespmem:$0x1F550] =	vst v8  }
0x68: {  	v8 =	vld [tilespmem:s18+$0x0];
	_ =	sdelay $0x4  }
0x69: {  	s23 =	sor.u32 s0, s7;
	[tilespmem:$0x1F560] =	vst v8  }
0x6a: {  	v8 =	vld [tilespmem:s23+$0x0];
	_ =	sdelay $0x4  }
0x6b: {  	s3 =	sor.u32 s0, s6;
	[tilespmem:$0x1F570] =	vst v8  }
0x6c: {  	v8 =	vld [tilespmem:s3+$0x0];
	_ =	sdelay $0x4  }
0x6d: {  	s6 =	sor.u32 s0, s5;
	[tilespmem:$0x1F580] =	vst v8  }
0x6e: {  	v8 =	vld [tilespmem:s6+$0x0];
	_ =	sdelay $0x4  }
0x6f: {  	s7 =	sor.u32 s0, s4;
	[tilespmem:$0x1F590] =	vst v8  }
0x70: {  	v8 =	vld [tilespmem:s7+$0x0];
	_ =	sdelay $0x4  }
0x71: {  	s8 =	sor.u32 s0, s29;
	[tilespmem:$0x1F5A0] =	vst v8  }
0x72: {  	v8 =	vld [tilespmem:s8+$0x0];
	_ =	sdelay $0x4  }
0x73: {  	s9 =	sor.u32 s0, s30;
	[tilespmem:$0x1F5B0] =	vst v8  }
0x74: {  	v8 =	vld [tilespmem:s9+$0x0];
	_ =	sdelay $0x4  }
0x75: {  	s10 =	sor.u32 s0, s31;
	[tilespmem:$0x1F5C0] =	vst v8  }
0x76: {  	v8 =	vld [tilespmem:s10+$0x0];
	_ =	sdelay $0x4  }
0x77: {  	s11 =	sor.u32 s0, s17;
	[tilespmem:$0x1F5D0] =	vst v8  }
0x78: {  	v8 =	vld [tilespmem:s11+$0x0];
	_ =	sdelay $0x4  }
0x79: {  	s12 =	sor.u32 s0, s24;
	[tilespmem:$0x1F5E0] =	vst v8  }
0x7a: {  	v8 =	vld [tilespmem:s12+$0x0];
	_ =	sdelay $0x4  }
0x7b: {  	s13 =	sor.u32 s0, s25;
	[tilespmem:$0x1F5F0] =	vst v8  }
0x7c: {  	v8 =	vld [tilespmem:s13+$0x0];
	_ =	sdelay $0x4  }
0x7d: {  	s14 =	sor.u32 s0, s26;
	[tilespmem:$0x1F600] =	vst v8  }
0x7e: {  	v8 =	vld [tilespmem:s14+$0x0];
	_ =	sdelay $0x4  }
0x7f: {  	s16 =	sor.u32 s0, s28;
	[tilespmem:$0x1F610] =	vst v8  }
0x80: {  	v8 =	vld [tilespmem:s16+$0x0];
	_ =	sdelay $0x4  }
0x81: {  	s17 =	sor.u32 s0, s19;
	[tilespmem:$0x1F620] =	vst v8  }
0x82: {  	v8 =	vld [tilespmem:s17+$0x0];
	_ =	sdelay $0x4  }
0x83: {  	s18 =	sor.u32 s0, s20;
	[tilespmem:$0x1F630] =	vst v8  }
0x84: {  	v8 =	vld [tilespmem:s18+$0x0];
	_ =	sdelay $0x4  }
0x85: {  	s19 =	sor.u32 s0, s21;
	[tilespmem:$0x1F640] =	vst v8  }
0x86: {  	v8 =	vld [tilespmem:s19+$0x0];
	_ =	sdelay $0x4  }
0x87: {  	s20 =	sor.u32 s0, s22;
	[tilespmem:$0x1F650] =	vst v8  }
0x88: {  	v8 =	vld [tilespmem:s20+$0x0];
	_ =	sdelay $0x1  }
0x89: {  	s21 =	sld [smem:$0x7DF];
	_ =	sdelay $0x2  }
0x8a: {  	s1 =	sor.u32 s0, s21;
	[tilespmem:$0x1F660] =	vst v8  }
0x8b: {  	v8 =	vld [tilespmem:s1+$0x0];
	_ =	sdelay $0x1  }
0x8c: {  	s22 =	sld [smem:$0x7E0];
	_ =	sdelay $0x2  }
0x8d: {  	s3 =	sor.u32 s0, s22;
	[tilespmem:$0x1F670] =	vst v8  }
0x8e: {  	v8 =	vld [tilespmem:s3+$0x0];
	_ =	sdelay $0x1  }
0x8f: {  	s23 =	sld [smem:$0x7E1];
	_ =	sdelay $0x2  }
0x90: {  	s1 =	sor.u32 s0, s23;
	[tilespmem:$0x1F680] =	vst v8  }
0x91: {  	v8 =	vld [tilespmem:s1+$0x0];
	_ =	sdelay $0x1  }
0x92: {  	s24 =	sld [smem:$0x7E2];
	_ =	sdelay $0x2  }
0x93: {  	s3 =	sor.u32 s0, s24;
	[tilespmem:$0x1F690] =	vst v8  }
0x94: {  	v8 =	vld [tilespmem:s3+$0x0];
	_ =	sdelay $0x1  }
0x95: {  	s25 =	sld [smem:$0x7E3];
	_ =	sdelay $0x2  }
0x96: {  	s1 =	sor.u32 s0, s25;
	[tilespmem:$0x1F6A0] =	vst v8  }
0x97: {  	v8 =	vld [tilespmem:s1+$0x0];
	_ =	sdelay $0x1  }
0x98: {  	s26 =	sld [smem:$0x7E4];
	_ =	sdelay $0x2  }
0x99: {  	s3 =	sor.u32 s0, s26;
	[tilespmem:$0x1F6B0] =	vst v8  }
0x9a: {  	v8 =	vld [tilespmem:s3+$0x0];
	_ =	sdelay $0x1  }
0x9b: {  	s28 =	sld [smem:$0x7E5];
	_ =	sdelay $0x2  }
0x9c: {  	s1 =	sor.u32 s0, s28;
	[tilespmem:$0x1F6C0] =	vst v8  }
0x9d: {  	v8 =	vld [tilespmem:s1+$0x0];
	_ =	sdelay $0x1  }
0x9e: {  	s30 =	sld [smem:$0x7E6];
	_ =	sdelay $0x2  }
0x9f: {  	s3 =	sor.u32 s0, s30;
	[tilespmem:$0x1F6D0] =	vst v8  }
0xa0: {  	v8 =	vld [tilespmem:s3+$0x0];
	_ =	sdelay $0x1  }
0xa1: {  	s31 =	sld [smem:$0x7E7];
	_ =	sdelay $0x2  }
0xa2: {  	s1 =	sor.u32 s0, s31;
	[tilespmem:$0x1F6E0] =	vst v8  }
0xa3: {  	v8 =	vld [tilespmem:s1+$0x0];
	_ =	sdelay $0x1  }
0xa4: {  	s4 =	sld [smem:$0x7E8];
	_ =	sdelay $0x2  }
0xa5: {  	s3 =	sor.u32 s0, s4;
	[tilespmem:$0x1F6F0] =	vst v8  }
0xa6: {  	v8 =	vld [tilespmem:s3+$0x0];
	_ =	sdelay $0x1  }
0xa7: {  	s5 =	sld [smem:$0x7E9];
	_ =	sdelay $0x2  }
0xa8: {  	s1 =	sor.u32 s0, s5;
	[tilespmem:$0x1F700] =	vst v8  }
0xa9: {  	v8 =	vld [tilespmem:s1+$0x0];
	_ =	sdelay $0x1  }
0xaa: {  	s6 =	sld [smem:$0x7EA];
	_ =	sdelay $0x2  }
0xab: {  	s3 =	sor.u32 s0, s6;
	[tilespmem:$0x1F710] =	vst v8  }
0xac: {  	v8 =	vld [tilespmem:s3+$0x0];
	_ =	sdelay $0x1  }
0xad: {  	s7 =	sld [smem:$0x7EB];
	_ =	sdelay $0x2  }
0xae: {  	s1 =	sor.u32 s0, s7;
	[tilespmem:$0x1F720] =	vst v8  }
0xaf: {  	v8 =	vld [tilespmem:s1+$0x0];
	_ =	sdelay $0x1  }
0xb0: {  	s8 =	sld [smem:$0x7EC];
	_ =	sdelay $0x2  }
0xb1: {  	s3 =	sor.u32 s0, s8;
	[tilespmem:$0x1F730] =	vst v8  }
0xb2: {  	v8 =	vld [tilespmem:s3+$0x0];
	_ =	sdelay $0x1  }
0xb3: {  	s9 =	simm.s32 $0x100;
	s10 =	simm.s32 $0x20;
	s11 =	sld [smem:$0x7ED]  }
0xb4: {  	s18 =	sand.u32 $0x60, s10;
	s10 =	sand.u32 $0xC00, s9  }
0xb5: {  	s4 =	sadd.s32 $0x7A80, s10  }
0xb6: {  	s1 =	sor.u32 s0, s11;
	[smem:$0x7FC] =	sst s4;
	[tilespmem:$0x1F740] =	vst v8  }
0xb7: {  	v8 =	vld [tilespmem:s1+$0x0];
	_ =	sdelay $0x1  }
0xb8: {  	s12 =	sld [smem:$0x7EE];
	_ =	sdelay $0x1  }
0xb9: {  	s13 =	sadd.s32 $0x7B00, s10  }
0xba: {  	s0 =	sor.u32 s0, s12;
	[smem:$0x7FD] =	sst s13;
	[tilespmem:$0x1F750] =	vst v8  }
0xbb: {  	v8 =	vld [tilespmem:s0+$0x0];
	_ =	sdelay $0x3  }
0xbc: {  	s17 =	sor.u32 $0x10, s18;
	s16 =	sadd.s32 $0x8780, s10  }
0xbd: {  	s14 =	sor.u32 s17, s4;
	[dreg:$0x1f] =	wrdreg s16;
	[tilespmem:$0x1F760] =	vst v8  }
0xbe: {  	v8 =	vld [tilespmem:s14+$0x0];
	_ =	sdelay $0x3  }
0xbf: {  	s20 =	sadd.s32 $0x8800, s10  }
0xc0: {  	s19 =	sor.u32 s17, s13;
	[dreg:$0x1e] =	wrdreg s20;
	[tilespmem:$0x1F770] =	vst v8  }
0xc1: {  	v8 =	vld [tilespmem:s19+$0x0];
	_ =	sdelay $0x3  }
0xc2: {  	s22 =	sadd.s32 $0x7880, s10  }
0xc3: {  	s21 =	sor.u32 s17, s16;
	[smem:$0x7F8] =	sst s22;
	[tilespmem:$0x1F780] =	vst v8  }
0xc4: {  	v8 =	vld [tilespmem:s21+$0x0];
	_ =	sdelay $0x3  }
0xc5: {  	s24 =	sadd.s32 $0x7900, s10  }
0xc6: {  	s23 =	sor.u32 s17, s20;
	[smem:$0x7F9] =	sst s24;
	[tilespmem:$0x1FAE0] =	vst v8  }
0xc7: {  	v8 =	vld [tilespmem:s23+$0x0];
	_ =	sdelay $0x3  }
0xc8: {  	s26 =	sadd.s32 $0x7980, s10  }
0xc9: {  	s25 =	sor.u32 s17, s22;
	[smem:$0x7FA] =	sst s26;
	[tilespmem:$0x1FAF0] =	vst v8  }
0xca: {  	v8 =	vld [tilespmem:s25+$0x0];
	_ =	sdelay $0x3  }
0xcb: {  	s30 =	sadd.s32 $0x7A00, s10  }
0xcc: {  	s28 =	sor.u32 s17, s24;
	[smem:$0x7FB] =	sst s30;
	[tilespmem:$0x1F790] =	vst v8  }
0xcd: {  	v8 =	vld [tilespmem:s28+$0x0];
	_ =	sdelay $0x3  }
0xce: {  	s0 =	sadd.s32 $0x6A80, s10  }
0xcf: {  	s31 =	sor.u32 s17, s26;
	[smem:$0x7F4] =	sst s0;
	[tilespmem:$0x1F7A0] =	vst v8  }
0xd0: {  	v8 =	vld [tilespmem:s31+$0x0];
	_ =	sdelay $0x3  }
0xd1: {  	s6 =	sadd.s32 $0x6B00, s10  }
0xd2: {  	s5 =	sor.u32 s17, s30;
	[smem:$0x7F5] =	sst s6;
	[tilespmem:$0x1FAC0] =	vst v8  }
0xd3: {  	v8 =	vld [tilespmem:s5+$0x0];
	_ =	sdelay $0x3  }
0xd4: {  	s8 =	sadd.s32 $0x7780, s10  }
0xd5: {  	s7 =	sor.u32 s17, s0;
	[smem:$0x7F6] =	sst s8;
	[tilespmem:$0x1FAD0] =	vst v8  }
0xd6: {  	v8 =	vld [tilespmem:s7+$0x0];
	_ =	sdelay $0x3  }
0xd7: {  	s11 =	sadd.s32 $0x7800, s10  }
0xd8: {  	s9 =	sor.u32 s17, s6;
	[smem:$0x7F7] =	sst s11;
	[tilespmem:$0x1F7B0] =	vst v8  }
0xd9: {  	v8 =	vld [tilespmem:s9+$0x0];
	_ =	sdelay $0x3  }
0xda: {  	s13 =	sadd.s32 $0x6880, s10  }
0xdb: {  	s12 =	sor.u32 s17, s8;
	[smem:$0x7F0] =	sst s13;
	[tilespmem:$0x1F7C0] =	vst v8  }
0xdc: {  	v8 =	vld [tilespmem:s12+$0x0];
	_ =	sdelay $0x3  }
0xdd: {  	s16 =	sadd.s32 $0x6900, s10  }
0xde: {  	s14 =	sor.u32 s17, s11;
	[smem:$0x7F1] =	sst s16;
	[tilespmem:$0x1FAA0] =	vst v8  }
0xdf: {  	v8 =	vld [tilespmem:s14+$0x0];
	_ =	sdelay $0x3  }
0xe0: {  	s20 =	sadd.s32 $0x6980, s10  }
0xe1: {  	s19 =	sor.u32 s17, s13;
	[smem:$0x7F2] =	sst s20;
	[tilespmem:$0x1FAB0] =	vst v8  }
0xe2: {  	v8 =	vld [tilespmem:s19+$0x0];
	_ =	sdelay $0x3  }
0xe3: {  	s22 =	sadd.s32 $0x6A00, s10  }
0xe4: {  	s21 =	sor.u32 s17, s16;
	[smem:$0x7F3] =	sst s22;
	[tilespmem:$0x1F7D0] =	vst v8  }
0xe5: {  	v8 =	vld [tilespmem:s21+$0x0];
	_ =	sdelay $0x4  }
0xe6: {  	s23 =	sor.u32 s17, s20;
	[tilespmem:$0x1F7E0] =	vst v8  }
0xe7: {  	v8 =	vld [tilespmem:s23+$0x0];
	_ =	sdelay $0x4  }
0xe8: {  	s24 =	sor.u32 s17, s22;
	[tilespmem:$0x1FA80] =	vst v8  }
0xe9: {  	v8 =	vld [tilespmem:s24+$0x0];
	_ =	sdelay $0x3  }
0xea: {  	s19 =	sadd.s32 $0x5A80, s10  }
0xeb: {  	s25 =	sor.u32 s17, s19;
	[tilespmem:$0x1FA90] =	vst v8  }
0xec: {  	v8 =	vld [tilespmem:s25+$0x0];
	_ =	sdelay $0x3  }
0xed: {  	s28 =	sadd.s32 $0x6800, s10;
	s20 =	sadd.s32 $0x5B00, s10  }
0xee: {  	s26 =	sor.u32 s17, s20;
	[smem:$0x7EF] =	sst s28;
	[tilespmem:$0x1F7F0] =	vst v8  }
0xef: {  	v8 =	vld [tilespmem:s26+$0x0];
	_ =	sdelay $0x3  }
0xf0: {  	s21 =	sadd.s32 $0x6780, s10  }
0xf1: {  	s30 =	sor.u32 s17, s21;
	[tilespmem:$0x1F800] =	vst v8  }
0xf2: {  	v8 =	vld [tilespmem:s30+$0x0];
	_ =	sdelay $0x4  }
0xf3: {  	s31 =	sor.u32 s17, s28;
	[tilespmem:$0x1FA40] =	vst v8  }
0xf4: {  	v8 =	vld [tilespmem:s31+$0x0];
	_ =	sdelay $0x3  }
0xf5: {  	s11 =	sadd.s32 $0x5880, s10  }
0xf6: {  	s1 =	sor.u32 s17, s11;
	[tilespmem:$0x1FA70] =	vst v8  }
0xf7: {  	v8 =	vld [tilespmem:s1+$0x0];
	_ =	sdelay $0x3  }
0xf8: {  	s13 =	sadd.s32 $0x5900, s10  }
0xf9: {  	s3 =	sor.u32 s17, s13;
	[tilespmem:$0x1F810] =	vst v8  }
0xfa: {  	v8 =	vld [tilespmem:s3+$0x0];
	_ =	sdelay $0x3  }
0xfb: {  	s12 =	sadd.s32 $0x5980, s10  }
0xfc: {  	s4 =	sor.u32 s17, s12;
	[tilespmem:$0x1F820] =	vst v8  }
0xfd: {  	v8 =	vld [tilespmem:s4+$0x0];
	_ =	sdelay $0x3  }
0xfe: {  	s16 =	sadd.s32 $0x5A00, s10  }
0xff: {  	s5 =	sor.u32 s17, s16;
	[tilespmem:$0x1FA00] =	vst v8  }
0x100: {  	v8 =	vld [tilespmem:s5+$0x0];
	_ =	sdelay $0x3  }
0x101: {  	s14 =	sadd.s32 $0x4A80, s10  }
0x102: {  	s6 =	sor.u32 s17, s14;
	[tilespmem:$0x1FA30] =	vst v8  }
0x103: {  	v8 =	vld [tilespmem:s6+$0x0];
	_ =	sdelay $0x3  }
0x104: {  	s9 =	sadd.s32 $0x4B00, s10  }
0x105: {  	s7 =	sor.u32 s17, s9;
	[tilespmem:$0x1F830] =	vst v8  }
0x106: {  	v8 =	vld [tilespmem:s7+$0x0];
	_ =	sdelay $0x3  }
0x107: {  	s8 =	sadd.s32 $0x5780, s10  }
0x108: {  	s22 =	sor.u32 s17, s8;
	[tilespmem:$0x1F840] =	vst v8  }
0x109: {  	v8 =	vld [tilespmem:s22+$0x0];
	_ =	sdelay $0x3  }
0x10a: {  	s7 =	sadd.s32 $0x5800, s10  }
0x10b: {  	s23 =	sor.u32 s17, s7;
	[tilespmem:$0x1F9C0] =	vst v8  }
0x10c: {  	v8 =	vld [tilespmem:s23+$0x0];
	_ =	sdelay $0x3  }
0x10d: {  	s6 =	sadd.s32 $0x4880, s10  }
0x10e: {  	s24 =	sor.u32 s17, s6;
	[tilespmem:$0x1F9F0] =	vst v8  }
0x10f: {  	v8 =	vld [tilespmem:s24+$0x0];
	_ =	sdelay $0x3  }
0x110: {  	s5 =	sadd.s32 $0x4900, s10  }
0x111: {  	s25 =	sor.u32 s17, s5;
	[tilespmem:$0x1F850] =	vst v8  }
0x112: {  	v8 =	vld [tilespmem:s25+$0x0];
	_ =	sdelay $0x3  }
0x113: {  	s4 =	sadd.s32 $0x4980, s10  }
0x114: {  	s26 =	sor.u32 s17, s4;
	[tilespmem:$0x1F860] =	vst v8  }
0x115: {  	v8 =	vld [tilespmem:s26+$0x0];
	_ =	sdelay $0x3  }
0x116: {  	s3 =	sadd.s32 $0x4A00, s10  }
0x117: {  	s28 =	sor.u32 s17, s3;
	[tilespmem:$0x1F990] =	vst v8  }
0x118: {  	v8 =	vld [tilespmem:s28+$0x0];
	_ =	sdelay $0x3  }
0x119: {  	s1 =	sadd.s32 $0x3A80, s10  }
0x11a: {  	s30 =	sor.u32 s17, s1;
	[tilespmem:$0x1F9B0] =	vst v8  }
0x11b: {  	v8 =	vld [tilespmem:s30+$0x0];
	_ =	sdelay $0x3  }
0x11c: {  	s26 =	sadd.s32 $0x3B00, s10  }
0x11d: {  	s29 =	sor.u32 s17, s26;
	[tilespmem:$0x1F870] =	vst v8  }
0x11e: {  	v8 =	vld [tilespmem:s29+$0x0];
	_ =	sdelay $0x3  }
0x11f: {  	s28 =	sadd.s32 $0x4780, s10  }
0x120: {  	s31 =	sor.u32 s17, s28;
	[tilespmem:$0x1F880] =	vst v8  }
0x121: {  	v8 =	vld [tilespmem:s31+$0x0];
	_ =	sdelay $0x3  }
0x122: {  	s29 =	sadd.s32 $0x4800, s10  }
0x123: {  	s0 =	sor.u32 s17, s29;
	[tilespmem:$0x1F970] =	vst v8  }
0x124: {  	v8 =	vld [tilespmem:s0+$0x0];
	_ =	sdelay $0x3  }
0x125: {  	s30 =	sadd.s32 $0x3880, s10  }
0x126: {  	s22 =	sor.u32 s17, s30;
	[tilespmem:$0x1F980] =	vst v8  }
0x127: {  	v8 =	vld [tilespmem:s22+$0x0];
	_ =	sdelay $0x3  }
0x128: {  	s31 =	sadd.s32 $0x3900, s10  }
0x129: {  	s23 =	sor.u32 s17, s31;
	[tilespmem:$0x1F890] =	vst v8  }
0x12a: {  	v8 =	vld [tilespmem:s23+$0x0];
	_ =	sdelay $0x3  }
0x12b: {  	s25 =	sadd.s32 $0x3980, s10  }
0x12c: {  	s0 =	sor.u32 s17, s25;
	[tilespmem:$0x1F8A0] =	vst v8  }
0x12d: {  	v8 =	vld [tilespmem:s0+$0x0];
	_ =	sdelay $0x3  }
0x12e: {  	s24 =	sadd.s32 $0x3A00, s10  }
0x12f: {  	s22 =	sor.u32 s17, s24;
	[tilespmem:$0x1F950] =	vst v8  }
0x130: {  	v8 =	vld [tilespmem:s22+$0x0];
	_ =	sdelay $0x3  }
0x131: {  	s0 =	sadd.s32 $0x3780, s10  }
0x132: {  	s22 =	sor.u32 s17, s0;
	[tilespmem:$0x1F960] =	vst v8  }
0x133: {  	v8 =	vld [tilespmem:s22+$0x0];
	_ =	sdelay $0x3  }
0x134: {  	s23 =	sadd.s32 $0x3800, s10  }
0x135: {  	s22 =	sor.u32 s17, s23;
	[tilespmem:$0x1F930] =	vst v8  }
0x136: {  	v8 =	vld [tilespmem:s22+$0x0];
	_ =	sdelay $0x3  }
0x137: {  	s10 =	sadd.s32 $0x2780, s10  }
0x138: {  	s22 =	sor.u32 s17, s10;
	[tilespmem:$0x1F940] =	vst v8  }
0x139: {  	v8 =	vld [tilespmem:s22+$0x300];
	_ =	sdelay $0x4  }
0x13a: {  	[tilespmem:$0x1F8B0] =	vst v8  }
0x13b: {  	v8 =	vld [tilespmem:s22+$0x380];
	_ =	sdelay $0x4  }
0x13c: {  	[tilespmem:$0x1F8C0] =	vst v8  }
0x13d: {  	v8 =	vld [tilespmem:s22+$0x100];
	_ =	sdelay $0x4  }
0x13e: {  	[tilespmem:$0x1F8D0] =	vst v8  }
0x13f: {  	v8 =	vld [tilespmem:s22+$0x180];
	_ =	sdelay $0x4  }
0x140: {  	[tilespmem:$0x1F8E0] =	vst v8  }
0x141: {  	v8 =	vld [tilespmem:s22+$0x200];
	_ =	sdelay $0x4  }
0x142: {  	[tilespmem:$0x1F910] =	vst v8  }
0x143: {  	v8 =	vld [tilespmem:s22+$0x280];
	_ =	sdelay $0x4  }
0x144: {  	[tilespmem:$0x1F920] =	vst v8  }
0x145: {  	v8 =	vld [tilespmem:s22+$0x0];
	_ =	sdelay $0x4  }
0x146: {  	[tilespmem:$0x1F8F0] =	vst v8  }
0x147: {  	v8 =	vld [tilespmem:s22+$0x80];
	_ =	sdelay $0x4  }
0x148: {  	s10 =	sor.u32 s18, s10;
	[tilespmem:$0x1F900] =	vst v8  }
0x149: {  	v8 =	vld [tilespmem:s10+$0x0];
	_ =	sdelay $0x4  }
0x14a: {  	[tilespmem:$0x1FB00] =	vst v8  }
0x14b: {  	v8 =	vld [tilespmem:s10+$0x80];
	_ =	sdelay $0x4  }
0x14c: {  	[tilespmem:$0x1FB10] =	vst v8  }
0x14d: {  	v8 =	vld [tilespmem:s10+$0x100];
	_ =	sdelay $0x4  }
0x14e: {  	[tilespmem:$0x1FB20] =	vst v8  }
0x14f: {  	v8 =	vld [tilespmem:s10+$0x180];
	_ =	sdelay $0x4  }
0x150: {  	[tilespmem:$0x1FB30] =	vst v8  }
0x151: {  	v8 =	vld [tilespmem:s10+$0x200];
	_ =	sdelay $0x4  }
0x152: {  	[tilespmem:$0x1FB40] =	vst v8  }
0x153: {  	v8 =	vld [tilespmem:s10+$0x280];
	_ =	sdelay $0x4  }
0x154: {  	[tilespmem:$0x1FB70] =	vst v8  }
0x155: {  	v8 =	vld [tilespmem:s10+$0x300];
	_ =	sdelay $0x4  }
0x156: {  	[tilespmem:$0x1FBA0] =	vst v8  }
0x157: {  	v8 =	vld [tilespmem:s10+$0x380];
	_ =	sdelay $0x4  }
0x158: {  	s0 =	sor.u32 s18, s0;
	[tilespmem:$0x1FBD0] =	vst v8  }
0x159: {  	v8 =	vld [tilespmem:s0+$0x0];
	_ =	sdelay $0x4  }
0x15a: {  	s23 =	sor.u32 s18, s23;
	[tilespmem:$0x1FC00] =	vst v8  }
0x15b: {  	v8 =	vld [tilespmem:s23+$0x0];
	_ =	sdelay $0x4  }
0x15c: {  	s10 =	sor.u32 s18, s30;
	[tilespmem:$0x1FC30] =	vst v8  }
0x15d: {  	v8 =	vld [tilespmem:s10+$0x0];
	_ =	sdelay $0x4  }
0x15e: {  	s22 =	sor.u32 s18, s31;
	[tilespmem:$0x1FC60] =	vst v8  }
0x15f: {  	v8 =	vld [tilespmem:s22+$0x0];
	_ =	sdelay $0x4  }
0x160: {  	s23 =	sor.u32 s18, s25;
	[tilespmem:$0x1FC90] =	vst v8  }
0x161: {  	v8 =	vld [tilespmem:s23+$0x0];
	_ =	sdelay $0x4  }
0x162: {  	s24 =	sor.u32 s18, s24;
	[tilespmem:$0x1FCC0] =	vst v8  }
0x163: {  	v8 =	vld [tilespmem:s24+$0x0];
	_ =	sdelay $0x4  }
0x164: {  	s25 =	sor.u32 s18, s1;
	[tilespmem:$0x1FCF0] =	vst v8  }
0x165: {  	v8 =	vld [tilespmem:s25+$0x0];
	_ =	sdelay $0x4  }
0x166: {  	s30 =	sor.u32 s18, s26;
	[tilespmem:$0x1FD20] =	vst v8  }
0x167: {  	v8 =	vld [tilespmem:s30+$0x0];
	_ =	sdelay $0x4  }
0x168: {  	s31 =	sor.u32 s18, s28;
	[tilespmem:$0x1FD50] =	vst v8  }
0x169: {  	v8 =	vld [tilespmem:s31+$0x0];
	_ =	sdelay $0x4  }
0x16a: {  	s1 =	sor.u32 s18, s29;
	[tilespmem:$0x1FD80] =	vst v8  }
0x16b: {  	v8 =	vld [tilespmem:s1+$0x0];
	_ =	sdelay $0x4  }
0x16c: {  	s6 =	sor.u32 s18, s6;
	[tilespmem:$0x1FDB0] =	vst v8  }
0x16d: {  	v8 =	vld [tilespmem:s6+$0x0];
	_ =	sdelay $0x4  }
0x16e: {  	s10 =	sor.u32 s18, s5;
	[tilespmem:$0x1FDE0] =	vst v8  }
0x16f: {  	v8 =	vld [tilespmem:s10+$0x0];
	_ =	sdelay $0x4  }
0x170: {  	s22 =	sor.u32 s18, s4;
	[tilespmem:$0x1FE10] =	vst v8  }
0x171: {  	v8 =	vld [tilespmem:s22+$0x0];
	_ =	sdelay $0x4  }
0x172: {  	s23 =	sor.u32 s18, s3;
	[tilespmem:$0x1FE20] =	vst v8  }
0x173: {  	v8 =	vld [tilespmem:s23+$0x0];
	_ =	sdelay $0x4  }
0x174: {  	s24 =	sor.u32 s18, s14;
	[tilespmem:$0x1FF50] =	vst v8  }
0x175: {  	v8 =	vld [tilespmem:s24+$0x0];
	_ =	sdelay $0x4  }
0x176: {  	s25 =	sor.u32 s18, s9;
	[tilespmem:$0x1FF80] =	vst v8  }
0x177: {  	v8 =	vld [tilespmem:s25+$0x0];
	_ =	sdelay $0x4  }
0x178: {  	s26 =	sor.u32 s18, s8;
	[tilespmem:$0x1FF90] =	vst v8  }
0x179: {  	v8 =	vld [tilespmem:s26+$0x0];
	_ =	sdelay $0x4  }
0x17a: {  	s28 =	sor.u32 s18, s7;
	[tilespmem:$0x1FFA0] =	vst v8  }
0x17b: {  	v8 =	vld [tilespmem:s28+$0x0];
	_ =	sdelay $0x4  }
0x17c: {  	s30 =	sor.u32 s18, s11;
	[tilespmem:$0x1FFB0] =	vst v8  }
0x17d: {  	v8 =	vld [tilespmem:s30+$0x0];
	_ =	sdelay $0x4  }
0x17e: {  	s31 =	sor.u32 s18, s13;
	[tilespmem:$0x1FFE0] =	vst v8  }
0x17f: {  	v8 =	vld [tilespmem:s31+$0x0];
	_ =	sdelay $0x4  }
0x180: {  	[tilespmem:$0x1FFF0] =	vst v8  }
0x181: {  	v0 =	vld.idx.msk [tilespmem:v0+s2+$0x0], $0xffff;
	_ =	sdelay $0x4  }
0x182: {  	[tilespmem:$0x1FA50] =	vst v0  }
0x183: {  	v0 =	vld.idx.msk [tilespmem:v1+s2+$0x0], $0xffff;
	_ =	sdelay $0x4  }
0x184: {  	[tilespmem:$0x1FA60] =	vst v0  }
0x185: {  	v0 =	vld.idx.msk [tilespmem:v2+s2+$0x0], $0xffff;
	_ =	sdelay $0x4  }
0x186: {  	[tilespmem:$0x1FA10] =	vst v0  }
0x187: {  	v0 =	vld.idx.msk [tilespmem:v3+s2+$0x0], $0xffff;
	_ =	sdelay $0x4  }
0x188: {  	[tilespmem:$0x1FA20] =	vst v0  }
0x189: {  	v0 =	vld.idx.msk [tilespmem:v4+s2+$0x0], $0xffff;
	_ =	sdelay $0x4  }
0x18a: {  	[tilespmem:$0x1F9D0] =	vst v0  }
0x18b: {  	v0 =	vld.idx.msk [tilespmem:v5+s2+$0x0], $0xffff;
	_ =	sdelay $0x4  }
0x18c: {  	[tilespmem:$0x1F9E0] =	vst v0  }
0x18d: {  	v0 =	vld.idx.msk [tilespmem:v7+s2+$0x0], $0xffff  }
0x18e: {  	v1 =	vld [tilespmem:$0x1F500]  }
0x18f: {  	v3 =	vld [tilespmem:$0x1F510]  }
0x190: {  	v4 =	vld [tilespmem:$0x1F520]  }
0x191: {  	v61 =	vld.idx.msk [tilespmem:v6+s2+$0x0], $0xffff  }
0x192: {  	[tilespmem:$0x1F9A0] =	vst v0;
	v0 =	vld [tilespmem:$0x1F490]  }
0x193: {  	v50 =	vld.idx.msk [tilespmem:v9+s2+$0x0], $0xffff  }
0x194: {  	v44 =	vld.idx.msk [tilespmem:v10+s2+$0x0], $0xffff  }
0x195: {  	v54 =	vld.idx.msk [tilespmem:v11+s2+$0x0], $0xffff  }
0x196: {  	v52 =	vld.idx.msk [tilespmem:v12+s2+$0x0], $0xffff  }
0x197: {  	v30 =	vld.idx.msk [tilespmem:v14+s2+$0x0], $0xffff  }
0x198: {  	v29 =	vld.idx.msk [tilespmem:v15+s2+$0x0], $0xffff  }
0x199: {  	v26 =	vld.idx.msk [tilespmem:v20+s2+$0x0], $0xffff  }
0x19a: {  	v35 =	vld.idx.msk [tilespmem:v21+s2+$0x0], $0xffff  }
0x19b: {  	v20 =	vld.idx.msk [tilespmem:v37+s2+$0x0], $0xffff  }
0x19c: {  	v21 =	vld.idx.msk [tilespmem:v40+s2+$0x0], $0xffff  }
0x19d: {  	v14 =	vld.idx.msk [tilespmem:v51+s2+$0x0], $0xffff  }
0x19e: {  	v51 =	vld.idx.msk [tilespmem:v55+s2+$0x0], $0xffff  }
0x19f: {  	v1 =	vld.idx.msk [tilespmem:v1+s2+$0x0], $0xffff  }
0x1a0: {  	v3 =	vld.idx.msk [tilespmem:v3+s2+$0x0], $0xffff  }
0x1a1: {  	v4 =	vld.idx.msk [tilespmem:v4+s2+$0x0], $0xffff  }
0x1a2: {  	v6 =	vld.idx.msk [tilespmem:v45+s2+$0x0], $0xffff  }
0x1a3: {  	v9 =	vld.idx.msk [tilespmem:v38+s2+$0x0], $0xffff  }
0x1a4: {  	v10 =	vld.idx.msk [tilespmem:v39+s2+$0x0], $0xffff  }
0x1a5: {  	v11 =	vld.idx.msk [tilespmem:v13+s2+$0x0], $0xffff  }
0x1a6: {  	v13 =	vld.idx.msk [tilespmem:v36+s2+$0x0], $0xffff  }
0x1a7: {  	v39 =	vld.idx.msk [tilespmem:v27+s2+$0x0], $0xffff  }
0x1a8: {  	v15 =	vld.idx.msk [tilespmem:v0+s2+$0x0], $0xffff  }
0x1a9: {  	v0 =	vld [tilespmem:$0x1F4A0]  }
0x1aa: {  	v27 =	vld.idx.msk [tilespmem:v34+s2+$0x0], $0xffff  }
0x1ab: {  	v45 =	vld.idx.msk [tilespmem:v28+s2+$0x0], $0xffff  }
0x1ac: {  	v28 =	vld.idx.msk [tilespmem:v32+s2+$0x0], $0xffff  }
0x1ad: {  	v32 =	vld.idx.msk [tilespmem:v31+s2+$0x0], $0xffff  }
0x1ae: {  	v31 =	vld.idx.msk [tilespmem:v33+s2+$0x0], $0xffff  }
0x1af: {  	v36 =	vld.idx.msk [tilespmem:v42+s2+$0x0], $0xffff  }
0x1b0: {  	v38 =	vld.idx.msk [tilespmem:v43+s2+$0x0], $0xffff  }
0x1b1: {  	v8 =	vld.idx.msk [tilespmem:v0+s2+$0x0], $0xffff  }
0x1b2: {  	v0 =	vld [tilespmem:$0x1F4B0]  }
0x1b3: {  	v33 =	vld.idx.msk [tilespmem:v48+s2+$0x0], $0xffff  }
0x1b4: {  	v43 =	vld.idx.msk [tilespmem:v49+s2+$0x0], $0xffff  }
0x1b5: {  	v48 =	vld.idx.msk [tilespmem:v60+s2+$0x0], $0xffff  }
0x1b6: {  	v60 =	vld [tilespmem:$0x1F530]  }
0x1b7: {  	v55 =	vld [tilespmem:$0x1F560]  }
0x1b8: {  	v34 =	vld.idx.msk [tilespmem:v53+s2+$0x0], $0xffff  }
0x1b9: {  	v42 =	vld.idx.msk [tilespmem:v57+s2+$0x0], $0xffff  }
0x1ba: {  	v7 =	vld.idx.msk [tilespmem:v0+s2+$0x0], $0xffff  }
0x1bb: {  	v0 =	vld [tilespmem:$0x1F4C0]  }
0x1bc: {  	v53 =	vld.idx.msk [tilespmem:v63+s2+$0x0], $0xffff  }
0x1bd: {  	v63 =	vld [tilespmem:$0x1F550]  }
0x1be: {  	v57 =	vld.idx.msk [tilespmem:v60+s2+$0x0], $0xffff  }
0x1bf: {  	v60 =	vld.idx.msk [tilespmem:v55+s2+$0x0], $0xffff  }
0x1c0: {  	v55 =	vld [tilespmem:$0x1F570]  }
0x1c1: {  	v40 =	vld.idx.msk [tilespmem:v56+s2+$0x0], $0xffff  }
0x1c2: {  	v49 =	vld.idx.msk [tilespmem:v59+s2+$0x0], $0xffff  }
0x1c3: {  	v37 =	vld.idx.msk [tilespmem:v0+s2+$0x0], $0xffff  }
0x1c4: {  	v0 =	vld [tilespmem:$0x1F4D0]  }
0x1c5: {  	v56 =	vld.idx.msk [tilespmem:v62+s2+$0x0], $0xffff  }
0x1c6: {  	v62 =	vld [tilespmem:$0x1F540]  }
0x1c7: {  	v59 =	vld.idx.msk [tilespmem:v63+s2+$0x0], $0xffff  }
0x1c8: {  	v63 =	vld.idx.msk [tilespmem:v55+s2+$0x0], $0xffff  }
0x1c9: {  	v55 =	vld [tilespmem:$0x1F580]  }
0x1ca: {  	v5 =	vld.idx.msk [tilespmem:v41+s2+$0x0], $0xffff  }
0x1cb: {  	v16 =	vld.idx.msk [tilespmem:v16+s2+$0x0], $0xffff  }
0x1cc: {  	v2 =	vld.idx.msk [tilespmem:v0+s2+$0x0], $0xffff  }
0x1cd: {  	v0 =	vld [tilespmem:$0x1F4E0]  }
0x1ce: {  	v17 =	vld.idx.msk [tilespmem:v17+s2+$0x0], $0xffff  }
0x1cf: {  	v41 =	vld.idx.msk [tilespmem:v58+s2+$0x0], $0xffff  }
0x1d0: {  	v58 =	vld.idx.msk [tilespmem:v62+s2+$0x0], $0xffff  }
0x1d1: {  	v62 =	vld.idx.msk [tilespmem:v55+s2+$0x0], $0xffff  }
0x1d2: {  	v55 =	vld [tilespmem:$0x1F590]  }
0x1d3: {  	v18 =	vld.idx.msk [tilespmem:v18+s2+$0x0], $0xffff  }
0x1d4: {  	v19 =	vld.idx.msk [tilespmem:v19+s2+$0x0], $0xffff  }
0x1d5: {  	v12 =	vld.idx.msk [tilespmem:v0+s2+$0x0], $0xffff  }
0x1d6: {  	v0 =	vld [tilespmem:$0x1F4F0]  }
0x1d7: {  	v22 =	vld.idx.msk [tilespmem:v22+s2+$0x0], $0xffff  }
0x1d8: {  	v23 =	vld.idx.msk [tilespmem:v23+s2+$0x0], $0xffff  }
0x1d9: {  	v24 =	vld.idx.msk [tilespmem:v24+s2+$0x0], $0xffff  }
0x1da: {  	v55 =	vld.idx.msk [tilespmem:v55+s2+$0x0], $0xffff  }
0x1db: {  	v25 =	vld.idx.msk [tilespmem:v25+s2+$0x0], $0xffff  }
0x1dc: {  	v46 =	vld.idx.msk [tilespmem:v46+s2+$0x0], $0xffff  }
0x1dd: {  	v47 =	vld.idx.msk [tilespmem:v47+s2+$0x0], $0xffff  }
0x1de: {  	v0 =	vld.idx.msk [tilespmem:v0+s2+$0x0], $0xffff  }
0x1df: {  	[tilespmem:$0x1FB50] =	vst v55;
	v55 =	vld [tilespmem:$0x1F5A0];
	_ =	sdelay $0x7  }
0x1e0: {  	v55 =	vld.idx.msk [tilespmem:v55+s2+$0x0], $0xffff;
	_ =	sdelay $0x4  }
0x1e1: {  	[tilespmem:$0x1FB60] =	vst v55;
	v55 =	vld [tilespmem:$0x1F5B0];
	_ =	sdelay $0x7  }
0x1e2: {  	v55 =	vld.idx.msk [tilespmem:v55+s2+$0x0], $0xffff;
	_ =	sdelay $0x4  }
0x1e3: {  	[tilespmem:$0x1FB80] =	vst v55;
	v55 =	vld [tilespmem:$0x1F5C0];
	_ =	sdelay $0x7  }
0x1e4: {  	v55 =	vld.idx.msk [tilespmem:v55+s2+$0x0], $0xffff;
	_ =	sdelay $0x4  }
0x1e5: {  	[tilespmem:$0x1FB90] =	vst v55;
	v55 =	vld [tilespmem:$0x1F5D0];
	_ =	sdelay $0x7  }
0x1e6: {  	v55 =	vld.idx.msk [tilespmem:v55+s2+$0x0], $0xffff;
	_ =	sdelay $0x4  }
0x1e7: {  	[tilespmem:$0x1FBB0] =	vst v55;
	v55 =	vld [tilespmem:$0x1F5E0];
	_ =	sdelay $0x7  }
0x1e8: {  	v55 =	vld.idx.msk [tilespmem:v55+s2+$0x0], $0xffff;
	_ =	sdelay $0x4  }
0x1e9: {  	[tilespmem:$0x1FBC0] =	vst v55;
	v55 =	vld [tilespmem:$0x1F5F0];
	_ =	sdelay $0x7  }
0x1ea: {  	v55 =	vld.idx.msk [tilespmem:v55+s2+$0x0], $0xffff;
	_ =	sdelay $0x4  }
0x1eb: {  	[tilespmem:$0x1FBE0] =	vst v55;
	v55 =	vld [tilespmem:$0x1F600];
	_ =	sdelay $0x7  }
0x1ec: {  	v55 =	vld.idx.msk [tilespmem:v55+s2+$0x0], $0xffff;
	_ =	sdelay $0x4  }
0x1ed: {  	[tilespmem:$0x1FBF0] =	vst v55;
	v55 =	vld [tilespmem:$0x1F610];
	_ =	sdelay $0x7  }
0x1ee: {  	v55 =	vld.idx.msk [tilespmem:v55+s2+$0x0], $0xffff;
	_ =	sdelay $0x4  }
0x1ef: {  	[tilespmem:$0x1FC10] =	vst v55;
	v55 =	vld [tilespmem:$0x1F620];
	_ =	sdelay $0x7  }
0x1f0: {  	v55 =	vld.idx.msk [tilespmem:v55+s2+$0x0], $0xffff;
	_ =	sdelay $0x4  }
0x1f1: {  	[tilespmem:$0x1FC20] =	vst v55;
	v55 =	vld [tilespmem:$0x1F630];
	_ =	sdelay $0x7  }
0x1f2: {  	v55 =	vld.idx.msk [tilespmem:v55+s2+$0x0], $0xffff;
	_ =	sdelay $0x4  }
0x1f3: {  	[tilespmem:$0x1FC40] =	vst v55;
	v55 =	vld [tilespmem:$0x1F640];
	_ =	sdelay $0x7  }
0x1f4: {  	v55 =	vld.idx.msk [tilespmem:v55+s2+$0x0], $0xffff;
	_ =	sdelay $0x4  }
0x1f5: {  	[tilespmem:$0x1FC50] =	vst v55;
	v55 =	vld [tilespmem:$0x1F650];
	_ =	sdelay $0x7  }
0x1f6: {  	v55 =	vld.idx.msk [tilespmem:v55+s2+$0x0], $0xffff;
	_ =	sdelay $0x4  }
0x1f7: {  	[tilespmem:$0x1FC70] =	vst v55;
	v55 =	vld [tilespmem:$0x1F660];
	_ =	sdelay $0x7  }
0x1f8: {  	v55 =	vld.idx.msk [tilespmem:v55+s2+$0x0], $0xffff;
	_ =	sdelay $0x4  }
0x1f9: {  	[tilespmem:$0x1FC80] =	vst v55;
	v55 =	vld [tilespmem:$0x1F670];
	_ =	sdelay $0x7  }
0x1fa: {  	v55 =	vld.idx.msk [tilespmem:v55+s2+$0x0], $0xffff;
	_ =	sdelay $0x4  }
0x1fb: {  	[tilespmem:$0x1FCA0] =	vst v55;
	v55 =	vld [tilespmem:$0x1F680];
	_ =	sdelay $0x7  }
0x1fc: {  	v55 =	vld.idx.msk [tilespmem:v55+s2+$0x0], $0xffff;
	_ =	sdelay $0x4  }
0x1fd: {  	[tilespmem:$0x1FCB0] =	vst v55;
	v55 =	vld [tilespmem:$0x1F690];
	_ =	sdelay $0x7  }
0x1fe: {  	v55 =	vld.idx.msk [tilespmem:v55+s2+$0x0], $0xffff;
	_ =	sdelay $0x4  }
0x1ff: {  	[tilespmem:$0x1FCD0] =	vst v55;
	v55 =	vld [tilespmem:$0x1F6A0];
	_ =	sdelay $0x7  }
0x200: {  	v55 =	vld.idx.msk [tilespmem:v55+s2+$0x0], $0xffff;
	_ =	sdelay $0x4  }
0x201: {  	[tilespmem:$0x1FCE0] =	vst v55;
	v55 =	vld [tilespmem:$0x1F6B0];
	_ =	sdelay $0x7  }
0x202: {  	v55 =	vld.idx.msk [tilespmem:v55+s2+$0x0], $0xffff;
	_ =	sdelay $0x4  }
0x203: {  	[tilespmem:$0x1FD00] =	vst v55;
	v55 =	vld [tilespmem:$0x1F6C0];
	_ =	sdelay $0x7  }
0x204: {  	v55 =	vld.idx.msk [tilespmem:v55+s2+$0x0], $0xffff;
	_ =	sdelay $0x4  }
0x205: {  	[tilespmem:$0x1FD10] =	vst v55;
	v55 =	vld [tilespmem:$0x1F6D0];
	_ =	sdelay $0x7  }
0x206: {  	v55 =	vld.idx.msk [tilespmem:v55+s2+$0x0], $0xffff;
	_ =	sdelay $0x4  }
0x207: {  	[tilespmem:$0x1FD30] =	vst v55;
	v55 =	vld [tilespmem:$0x1F6E0];
	_ =	sdelay $0x7  }
0x208: {  	v55 =	vld.idx.msk [tilespmem:v55+s2+$0x0], $0xffff;
	_ =	sdelay $0x4  }
0x209: {  	[tilespmem:$0x1FD40] =	vst v55;
	v55 =	vld [tilespmem:$0x1F6F0];
	_ =	sdelay $0x7  }
0x20a: {  	v55 =	vld.idx.msk [tilespmem:v55+s2+$0x0], $0xffff;
	_ =	sdelay $0x4  }
0x20b: {  	[tilespmem:$0x1FD60] =	vst v55;
	v55 =	vld [tilespmem:$0x1F700];
	_ =	sdelay $0x7  }
0x20c: {  	v55 =	vld.idx.msk [tilespmem:v55+s2+$0x0], $0xffff;
	_ =	sdelay $0x4  }
0x20d: {  	[tilespmem:$0x1FD70] =	vst v55;
	v55 =	vld [tilespmem:$0x1F710];
	_ =	sdelay $0x7  }
0x20e: {  	v55 =	vld.idx.msk [tilespmem:v55+s2+$0x0], $0xffff;
	_ =	sdelay $0x4  }
0x20f: {  	[tilespmem:$0x1FD90] =	vst v55;
	v55 =	vld [tilespmem:$0x1F720];
	_ =	sdelay $0x7  }
0x210: {  	v55 =	vld.idx.msk [tilespmem:v55+s2+$0x0], $0xffff;
	_ =	sdelay $0x4  }
0x211: {  	[tilespmem:$0x1FDA0] =	vst v55;
	v55 =	vld [tilespmem:$0x1F730];
	_ =	sdelay $0x7  }
0x212: {  	v55 =	vld.idx.msk [tilespmem:v55+s2+$0x0], $0xffff;
	_ =	sdelay $0x4  }
0x213: {  	[tilespmem:$0x1FDC0] =	vst v55;
	v55 =	vld [tilespmem:$0x1F740];
	_ =	sdelay $0x7  }
0x214: {  	v55 =	vld.idx.msk [tilespmem:v55+s2+$0x0], $0xffff;
	_ =	sdelay $0x4  }
0x215: {  	[tilespmem:$0x1FDD0] =	vst v55;
	v55 =	vld [tilespmem:$0x1F750];
	_ =	sdelay $0x7  }
0x216: {  	v55 =	vld.idx.msk [tilespmem:v55+s2+$0x0], $0xffff;
	_ =	sdelay $0x4  }
0x217: {  	[tilespmem:$0x1FDF0] =	vst v55;
	v55 =	vld [tilespmem:$0x1F760];
	_ =	sdelay $0x7  }
0x218: {  	v55 =	vld.idx.msk [tilespmem:v55+s2+$0x0], $0xffff;
	_ =	sdelay $0x4  }
0x219: {  	[tilespmem:$0x1FE00] =	vst v55;
	v55 =	vld [tilespmem:$0x1F770];
	_ =	sdelay $0x7  }
0x21a: {  	v55 =	vld.idx.msk [tilespmem:v55+s2+$0x0], $0xffff;
	_ =	sdelay $0x4  }
0x21b: {  	[tilespmem:$0x1FF60] =	vst v55;
	v55 =	vld [tilespmem:$0x1F780];
	_ =	sdelay $0x7  }
0x21c: {  	v55 =	vld.idx.msk [tilespmem:v55+s2+$0x0], $0xffff;
	_ =	sdelay $0x4  }
0x21d: {  	[tilespmem:$0x1FF70] =	vst v55;
	v55 =	vld [tilespmem:$0x1F790];
	_ =	sdelay $0x7  }
0x21e: {  	v55 =	vld.idx.msk [tilespmem:v55+s2+$0x0], $0xffff;
	_ =	sdelay $0x4  }
0x21f: {  	[tilespmem:$0x1FF30] =	vst v55;
	v55 =	vld [tilespmem:$0x1F7A0];
	_ =	sdelay $0x7  }
0x220: {  	v55 =	vld.idx.msk [tilespmem:v55+s2+$0x0], $0xffff;
	_ =	sdelay $0x4  }
0x221: {  	[tilespmem:$0x1FF40] =	vst v55;
	v55 =	vld [tilespmem:$0x1F7B0];
	_ =	sdelay $0x7  }
0x222: {  	v55 =	vld.idx.msk [tilespmem:v55+s2+$0x0], $0xffff;
	_ =	sdelay $0x4  }
0x223: {  	[tilespmem:$0x1FF10] =	vst v55;
	v55 =	vld [tilespmem:$0x1F7C0];
	_ =	sdelay $0x7  }
0x224: {  	v55 =	vld.idx.msk [tilespmem:v55+s2+$0x0], $0xffff;
	_ =	sdelay $0x4  }
0x225: {  	[tilespmem:$0x1FF20] =	vst v55;
	v55 =	vld [tilespmem:$0x1F7D0];
	_ =	sdelay $0x7  }
0x226: {  	v55 =	vld.idx.msk [tilespmem:v55+s2+$0x0], $0xffff;
	_ =	sdelay $0x4  }
0x227: {  	[tilespmem:$0x1FEF0] =	vst v55;
	v55 =	vld [tilespmem:$0x1F7E0];
	_ =	sdelay $0x7  }
0x228: {  	v55 =	vld.idx.msk [tilespmem:v55+s2+$0x0], $0xffff;
	_ =	sdelay $0x4  }
0x229: {  	[tilespmem:$0x1FF00] =	vst v55;
	v55 =	vld [tilespmem:$0x1F7F0];
	_ =	sdelay $0x7  }
0x22a: {  	v55 =	vld.idx.msk [tilespmem:v55+s2+$0x0], $0xffff;
	_ =	sdelay $0x4  }
0x22b: {  	[tilespmem:$0x1FED0] =	vst v55;
	v55 =	vld [tilespmem:$0x1F800];
	_ =	sdelay $0x7  }
0x22c: {  	v55 =	vld.idx.msk [tilespmem:v55+s2+$0x0], $0xffff;
	_ =	sdelay $0x4  }
0x22d: {  	[tilespmem:$0x1FEE0] =	vst v55;
	v55 =	vld [tilespmem:$0x1F810];
	_ =	sdelay $0x7  }
0x22e: {  	v55 =	vld.idx.msk [tilespmem:v55+s2+$0x0], $0xffff;
	_ =	sdelay $0x4  }
0x22f: {  	[tilespmem:$0x1FEB0] =	vst v55;
	v55 =	vld [tilespmem:$0x1F820];
	_ =	sdelay $0x7  }
0x230: {  	v55 =	vld.idx.msk [tilespmem:v55+s2+$0x0], $0xffff;
	_ =	sdelay $0x4  }
0x231: {  	[tilespmem:$0x1FEC0] =	vst v55;
	v55 =	vld [tilespmem:$0x1F830];
	_ =	sdelay $0x7  }
0x232: {  	v55 =	vld.idx.msk [tilespmem:v55+s2+$0x0], $0xffff;
	_ =	sdelay $0x4  }
0x233: {  	[tilespmem:$0x1FE90] =	vst v55;
	v55 =	vld [tilespmem:$0x1F840];
	_ =	sdelay $0x7  }
0x234: {  	v55 =	vld.idx.msk [tilespmem:v55+s2+$0x0], $0xffff;
	_ =	sdelay $0x4  }
0x235: {  	[tilespmem:$0x1FEA0] =	vst v55;
	v55 =	vld [tilespmem:$0x1F850];
	_ =	sdelay $0x7  }
0x236: {  	v55 =	vld.idx.msk [tilespmem:v55+s2+$0x0], $0xffff;
	_ =	sdelay $0x4  }
0x237: {  	[tilespmem:$0x1FE70] =	vst v55;
	v55 =	vld [tilespmem:$0x1F860];
	_ =	sdelay $0x7  }
0x238: {  	v55 =	vld.idx.msk [tilespmem:v55+s2+$0x0], $0xffff;
	_ =	sdelay $0x4  }
0x239: {  	[tilespmem:$0x1FE80] =	vst v55;
	v55 =	vld [tilespmem:$0x1F870];
	_ =	sdelay $0x7  }
0x23a: {  	v55 =	vld.idx.msk [tilespmem:v55+s2+$0x0], $0xffff;
	_ =	sdelay $0x4  }
0x23b: {  	[tilespmem:$0x1FE50] =	vst v55;
	v55 =	vld [tilespmem:$0x1F880];
	_ =	sdelay $0x7  }
0x23c: {  	v55 =	vld.idx.msk [tilespmem:v55+s2+$0x0], $0xffff;
	_ =	sdelay $0x4  }
0x23d: {  	[tilespmem:$0x1FE60] =	vst v55;
	v55 =	vld [tilespmem:$0x1F890];
	_ =	sdelay $0x7  }
0x23e: {  	v55 =	vld.idx.msk [tilespmem:v55+s2+$0x0], $0xffff;
	_ =	sdelay $0x4  }
0x23f: {  	[tilespmem:$0x1FE30] =	vst v55;
	v55 =	vld [tilespmem:$0x1F8A0];
	_ =	sdelay $0x1  }
0x240: {  	v0 =	vadd.f32 $0.0e+00, v0;
	_ =	sdelay $0x1  }
0x241: {  	v0 =	vadd.f32 v1, v0;
	_ =	sdelay $0x1  }
0x242: {  	v0 =	vadd.f32 v4, v0;
	v4 =	vld [tilespmem:$0x1F8D0]  }
0x243: {  	v1 =	vld [tilespmem:$0x1F8B0]  }
0x244: {  	v12 =	vadd.f32 $0.0e+00, v12;
	v55 =	vld.idx.msk [tilespmem:v55+s2+$0x0], $0xffff;
	_ =	sdelay $0x1  }
0x245: {  	v2 =	vadd.f32 $0.0e+00, v2;
	v12 =	vadd.f32 v51, v12;
	_ =	sdelay $0x1  }
0x246: {  	v2 =	vadd.f32 v7, v2;
	v7 =	vld [tilespmem:$0x1F8C0];
	v3 =	vadd.f32 v3, v12  }
0x247: {  	[tilespmem:$0x1FE40] =	vst v55  }
0x248: {  	v37 =	vadd.f32 $0.0e+00, v37;
	v3 =	vadd.f32 v5, v3;
	v12 =	vld.idx.msk [tilespmem:v4+s2+$0x0], $0xffff  }
0x249: {  	v4 =	vld [tilespmem:$0x1F8E0]  }
0x24a: {  	v3 =	vadd.f32 v9, v3;
	v51 =	vld.idx.msk [tilespmem:v1+s2+$0x0], $0xffff;
	v1 =	vadd.f32 v8, v37;
	_ =	sdelay $0x1  }
0x24b: {  	v9 =	vadd.f32 v11, v3;
	v3 =	vld [tilespmem:$0x1F930];
	v1 =	vadd.f32 v14, v1  }
0x24c: {  	v11 =	vld [tilespmem:$0x1F960]  }
0x24d: {  	v37 =	vld.idx.msk [tilespmem:v7+s2+$0x0], $0xffff;
	v5 =	vadd.f32 v20, v1  }
0x24e: {  	v1 =	vld [tilespmem:$0x1F900]  }
0x24f: {  	v5 =	vadd.f32 v26, v5;
	v26 =	vld [tilespmem:$0x1FA40]  }
0x250: {  	v2 =	vadd.f32 v15, v2;
	v7 =	vld.idx.msk [tilespmem:v4+s2+$0x0], $0xffff  }
0x251: {  	v4 =	vadd.f32 v6, v0;
	v0 =	vld [tilespmem:$0x1F8F0]  }
0x252: {  	v6 =	vadd.f32 v21, v2;
	v5 =	vadd.f32 v30, v5;
	v30 =	vld [tilespmem:$0x1FA80]  }
0x253: {  	v21 =	vld [tilespmem:$0x1FB40]  }
0x254: {  	v9 =	vadd.f32 v16, v9;
	v8 =	vadd.f32 v35, v6;
	v6 =	vld [tilespmem:$0x1F920]  }
0x255: {  	v5 =	vadd.f32 v54, v5;
	v54 =	vld.idx.msk [tilespmem:v11+s2+$0x0], $0xffff  }
0x256: {  	v11 =	vadd.f32 v18, v9;
	v9 =	vld [tilespmem:$0x1F970]  }
0x257: {  	v2 =	vld.idx.msk [tilespmem:v1+s2+$0x0], $0xffff  }
0x258: {  	v4 =	vadd.f32 v10, v4;
	v1 =	vld [tilespmem:$0x1F910]  }
0x259: {  	v10 =	vadd.f32 v29, v8;
	v8 =	vld [tilespmem:$0x1F950]  }
0x25a: {  	v4 =	vadd.f32 v13, v4;
	v13 =	vadd.f32 v50, v5;
	v5 =	vld [tilespmem:$0x1F980]  }
0x25b: {  	v14 =	vadd.f32 v22, v11;
	v11 =	vld [tilespmem:$0x1F9A0]  }
0x25c: {  	v22 =	vld [tilespmem:$0x1F9D0]  }
0x25d: {  	v29 =	vld [tilespmem:$0x1FA70]  }
0x25e: {  	v14 =	vadd.f32 v24, v14;
	v24 =	vld [tilespmem:$0x1FA20]  }
0x25f: {  	v55 =	vld.idx.msk [tilespmem:v26+s2+$0x0], $0xffff  }
0x260: {  	v26 =	vld [tilespmem:$0x1FB70]  }
0x261: {  	v0 =	vld.idx.msk [tilespmem:v0+s2+$0x0], $0xffff  }
0x262: {  	v4 =	vadd.f32 v17, v4;
	v13 =	vadd.f32 v61, v13;
	v17 =	vld.idx.msk [tilespmem:v30+s2+$0x0], $0xffff  }
0x263: {  	v30 =	vld [tilespmem:$0x1FBF0]  }
0x264: {  	v16 =	vadd.f32 v22, v13;
	v13 =	vld [tilespmem:$0x1F9E0]  }
0x265: {  	v22 =	vld [tilespmem:$0x1FB50]  }
0x266: {  	v10 =	vadd.f32 v52, v10;
	v35 =	vld.idx.msk [tilespmem:v6+s2+$0x0], $0xffff  }
0x267: {  	v6 =	vld.idx.msk [tilespmem:v3+s2+$0x0], $0xffff  }
0x268: {  	v10 =	vadd.f32 v44, v10;
	v3 =	vld [tilespmem:$0x1F940]  }
0x269: {  	v4 =	vadd.f32 v19, v4;
	v52 =	vld.idx.msk [tilespmem:v9+s2+$0x0], $0xffff  }
0x26a: {  	v14 =	vadd.f32 v39, v14;
	v10 =	vadd.f32 v11, v10;
	v11 =	vld [tilespmem:$0x1F9B0]  }
0x26b: {  	v4 =	vadd.f32 v23, v4;
	v23 =	vld [tilespmem:$0x1FA10]  }
0x26c: {  	v14 =	vadd.f32 v45, v14;
	v45 =	vld [tilespmem:$0x1FAD0]  }
0x26d: {  	v1 =	vld.idx.msk [tilespmem:v1+s2+$0x0], $0xffff  }
0x26e: {  	v8 =	vld.idx.msk [tilespmem:v8+s2+$0x0], $0xffff  }
0x26f: {  	v9 =	vld.idx.msk [tilespmem:v5+s2+$0x0], $0xffff  }
0x270: {  	v5 =	vld [tilespmem:$0x1F990]  }
0x271: {  	v15 =	vadd.f32 v25, v4;
	v4 =	vld [tilespmem:$0x1F9C0]  }
0x272: {  	v25 =	vld [tilespmem:$0x1FA30]  }
0x273: {  	v39 =	vld.idx.msk [tilespmem:v29+s2+$0x0], $0xffff  }
0x274: {  	v14 =	vadd.f32 v32, v14;
	v32 =	vadd.f32 $0.0e+00, v47;
	v47 =	vld [tilespmem:$0x1FAF0]  }
0x275: {  	v29 =	vld [tilespmem:$0x1FBE0]  }
0x276: {  	v10 =	vadd.f32 v13, v10;
	v13 =	vld [tilespmem:$0x1F9F0];
	v15 =	vadd.f32 v27, v15  }
0x277: {  	v27 =	vld [tilespmem:$0x1FA50]  }
0x278: {  	v15 =	vadd.f32 v28, v15;
	v28 =	vld [tilespmem:$0x1FA60]  }
0x279: {  	v10 =	vadd.f32 v24, v10;
	v24 =	vld [tilespmem:$0x1FB60]  }
0x27a: {  	v0 =	vadd.f32 $0.0e+00, v0;
	v3 =	vld.idx.msk [tilespmem:v3+s2+$0x0], $0xffff  }
0x27b: {  	v16 =	vadd.f32 v23, v16;
	v11 =	vld.idx.msk [tilespmem:v11+s2+$0x0], $0xffff  }
0x27c: {  	v0 =	vadd.f32 v1, v0;
	v15 =	vadd.f32 v31, v15;
	v31 =	vld [tilespmem:$0x1FA90]  }
0x27d: {  	v16 =	vadd.f32 v27, v16;
	v27 =	vld [tilespmem:$0x1FB80]  }
0x27e: {  	v0 =	vadd.f32 v6, v0;
	v6 =	vld [tilespmem:$0x1FE30]  }
0x27f: {  	v5 =	vld.idx.msk [tilespmem:v5+s2+$0x0], $0xffff  }
0x280: {  	v4 =	vld.idx.msk [tilespmem:v4+s2+$0x0], $0xffff  }
0x281: {  	v12 =	vadd.f32 $0.0e+00, v12;
	v50 =	vld.idx.msk [tilespmem:v25+s2+$0x0], $0xffff  }
0x282: {  	v2 =	vadd.f32 $0.0e+00, v2;
	v14 =	vadd.f32 v15, v14;
	v15 =	vld [tilespmem:$0x1FAB0]  }
0x283: {  	v10 =	vadd.f32 v28, v10;
	v44 =	vld.idx.msk [tilespmem:v13+s2+$0x0], $0xffff  }
0x284: {  	v1 =	vadd.f32 v35, v2;
	v2 =	vadd.f32 v51, v12;
	v13 =	vld [tilespmem:$0x1FA00]  }
0x285: {  	v10 =	vadd.f32 v10, v16;
	v16 =	vadd.f32 v40, v32;
	v40 =	vld [tilespmem:$0x1FC10]  }
0x286: {  	v1 =	vadd.f32 v3, v1;
	v2 =	vadd.f32 v6, v2;
	v6 =	vld [tilespmem:$0x1FE40]  }
0x287: {  	v16 =	vadd.f32 v48, v16;
	v48 =	vld [tilespmem:$0x1FC40]  }
0x288: {  	v1 =	vadd.f32 v54, v1;
	v54 =	vld [tilespmem:$0x1FEB0]  }
0x289: {  	v61 =	vld.idx.msk [tilespmem:v31+s2+$0x0], $0xffff;
	v16 =	vadd.f32 v58, v16  }
0x28a: {  	v58 =	vld [tilespmem:$0x1FB20];
	v1 =	vadd.f32 v9, v1  }
0x28b: {  	v16 =	vadd.f32 v62, v16;
	v62 =	vld [tilespmem:$0x1FCF0]  }
0x28c: {  	v1 =	vadd.f32 v11, v1;
	v11 =	vld [tilespmem:$0x1FE90]  }
0x28d: {  	v13 =	vld.idx.msk [tilespmem:v13+s2+$0x0], $0xffff  }
0x28e: {  	[tilespmem:$0x1FFD0] =	vst v10;
	v10 =	vld [tilespmem:$0x1FAA0]  }
0x28f: {  	[tilespmem:$0x1FFC0] =	vst v14;
	v14 =	vadd.f32 $0.0e+00, v38;
	v38 =	vld [tilespmem:$0x1FAC0]  }
0x290: {  	v23 =	vld.idx.msk [tilespmem:v15+s2+$0x0], $0xffff  }
0x291: {  	v19 =	vld.idx.msk [tilespmem:v45+s2+$0x0], $0xffff  }
0x292: {  	v15 =	vadd.f32 $0.0e+00, v46;
	v46 =	vld [tilespmem:$0x1FAE0]  }
0x293: {  	v25 =	vld.idx.msk [tilespmem:v47+s2+$0x0], $0xffff  }
0x294: {  	s3 =	sor.u32 s18, s16;
	v7 =	vadd.f32 $0.0e+00, v7;
	v32 =	vld.idx.msk [tilespmem:v21+s2+$0x0], $0xffff  }
0x295: {  	s4 =	sor.u32 s18, s19;
	s8 =	sld [smem:$0x7F0];
	v35 =	vld [tilespmem:s3+$0x0]  }
0x296: {  	s5 =	sor.u32 s18, s20;
	s10 =	sld [smem:$0x7F2];
	v7 =	vadd.f32 v37, v7;
	v12 =	vld [tilespmem:s4+$0x0]  }
0x297: {  	s6 =	sor.u32 s18, s21;
	v0 =	vadd.f32 v8, v0;
	v3 =	vld [tilespmem:s5+$0x0]  }
0x298: {  	s0 =	sor.u32 s18, s8;
	v6 =	vadd.f32 v6, v7;
	v7 =	vld [tilespmem:s6+$0x0]  }
0x299: {  	v0 =	vadd.f32 v52, v0;
	v37 =	vld [tilespmem:s0+$0x0];
	s0 =	sor.u32 s18, s10  }
0x29a: {  	v1 =	vadd.f32 v44, v1;
	v14 =	vadd.f32 v43, v14;
	v51 =	vld [tilespmem:s0+$0x0]  }
0x29b: {  	v0 =	vadd.f32 v5, v0;
	v15 =	vadd.f32 v34, v15;
	v34 =	vld [tilespmem:$0x1FC00]  }
0x29c: {  	v1 =	vadd.f32 v50, v1;
	v14 =	vadd.f32 v41, v14;
	v41 =	vld [tilespmem:$0x1FC20]  }
0x29d: {  	v0 =	vadd.f32 v4, v0;
	v15 =	vadd.f32 v49, v15;
	v49 =	vld [tilespmem:$0x1FB00]  }
0x29e: {  	v45 =	vld.idx.msk [tilespmem:v58+s2+$0x0], $0xffff;
	v1 =	vadd.f32 v39, v1  }
0x29f: {  	v0 =	vadd.f32 v13, v0;
	v14 =	vadd.f32 v53, v14;
	v53 =	vld [tilespmem:$0x1FC60]  }
0x2a0: {  	v1 =	vadd.f32 v61, v1;
	v61 =	vld [tilespmem:$0x1FF10]  }
0x2a1: {  	v0 =	vadd.f32 v55, v0;
	v55 =	vld [tilespmem:$0x1FF70]  }
0x2a2: {  	v28 =	vld.idx.msk [tilespmem:v10+s2+$0x0], $0xffff  }
0x2a3: {  	v10 =	vadd.f32 $0.0e+00, v36;
	v36 =	vld.idx.msk [tilespmem:v38+s2+$0x0], $0xffff  }
0x2a4: {  	v15 =	vadd.f32 v57, v15;
	v14 =	vadd.f32 v60, v14;
	v60 =	vld [tilespmem:$0x1FB30]  }
0x2a5: {  	v38 =	vld.idx.msk [tilespmem:v46+s2+$0x0], $0xffff  }
0x2a6: {  	v15 =	vadd.f32 v63, v15;
	v63 =	vld [tilespmem:$0x1FD00]  }
0x2a7: {  	v35 =	vld.idx.msk [tilespmem:v35+s2+$0x0], $0xffff  }
0x2a8: {  	v12 =	vld.idx.msk [tilespmem:v12+s2+$0x0], $0xffff  }
0x2a9: {  	v3 =	vld.idx.msk [tilespmem:v3+s2+$0x0], $0xffff  }
0x2aa: {  	v7 =	vld.idx.msk [tilespmem:v7+s2+$0x0], $0xffff  }
0x2ab: {  	v10 =	vadd.f32 v33, v10;
	v33 =	vld.idx.msk [tilespmem:v26+s2+$0x0], $0xffff  }
0x2ac: {  	v18 =	vadd.f32 v27, v15;
	v15 =	vld [tilespmem:$0x1FB90]  }
0x2ad: {  	v20 =	vld.idx.msk [tilespmem:v34+s2+$0x0], $0xffff  }
0x2ae: {  	v34 =	vld [tilespmem:$0x1FD10]  }
0x2af: {  	v10 =	vadd.f32 v42, v10;
	v42 =	vld [tilespmem:$0x1FC30]  }
0x2b0: {  	v47 =	vld.idx.msk [tilespmem:v49+s2+$0x0], $0xffff  }
0x2b1: {  	v49 =	vld [tilespmem:$0x1FC50]  }
0x2b2: {  	v0 =	vadd.f32 v17, v0;
	v16 =	vadd.f32 v15, v16;
	v15 =	vld [tilespmem:$0x1FBA0]  }
0x2b3: {  	v10 =	vadd.f32 v56, v10;
	v56 =	vld [tilespmem:$0x1FB10]  }
0x2b4: {  	v14 =	vadd.f32 v24, v14;
	v28 =	vadd.f32 v28, v0;
	v24 =	vld.idx.msk [tilespmem:v53+s2+$0x0], $0xffff  }
0x2b5: {  	v53 =	vld [tilespmem:$0x1FD60]  }
0x2b6: {  	v28 =	vadd.f32 v36, v28;
	v36 =	vld [tilespmem:$0x1FF50]  }
0x2b7: {  	v43 =	vld.idx.msk [tilespmem:v60+s2+$0x0], $0xffff  }
0x2b8: {  	v10 =	vadd.f32 v59, v10;
	v59 =	vld [tilespmem:$0x1FCD0]  }
0x2b9: {  	v60 =	vld [tilespmem:$0x1FCE0]  }
0x2ba: {  	v31 =	vld.idx.msk [tilespmem:v15+s2+$0x0], $0xffff  }
0x2bb: {  	v15 =	vld [tilespmem:$0x1FBB0]  }
0x2bc: {  	v21 =	vld.idx.msk [tilespmem:v42+s2+$0x0], $0xffff  }
0x2bd: {  	v42 =	vld [tilespmem:$0x1FD40]  }
0x2be: {  	v10 =	vadd.f32 v22, v10;
	v46 =	vld.idx.msk [tilespmem:v56+s2+$0x0], $0xffff  }
0x2bf: {  	v16 =	vadd.f32 v30, v16;
	v56 =	vld [tilespmem:$0x1FC70]  }
0x2c0: {  	v1 =	vadd.f32 v23, v1;
	v10 =	vadd.f32 v15, v10;
	v15 =	vld [tilespmem:$0x1FBC0]  }
0x2c1: {  	v16 =	vadd.f32 v49, v16;
	v49 =	vld [tilespmem:$0x1FD50]  }
0x2c2: {  	v1 =	vadd.f32 v19, v1;
	v19 =	vld.idx.msk [tilespmem:v36+s2+$0x0], $0xffff;
	v10 =	vadd.f32 v40, v10  }
0x2c3: {  	v40 =	vld [tilespmem:$0x1FD20]  }
0x2c4: {  	v22 =	vadd.f32 v56, v10;
	v10 =	vld [tilespmem:$0x1FC80]  }
0x2c5: {  	v56 =	vld [tilespmem:$0x1FD70];
	v14 =	vadd.f32 v15, v14  }
0x2c6: {  	v15 =	vld [tilespmem:$0x1FBD0]  }
0x2c7: {  	v14 =	vadd.f32 v41, v14;
	v41 =	vld [tilespmem:$0x1FD30]  }
0x2c8: {  	v22 =	vadd.f32 v59, v22;
	v59 =	vld [tilespmem:$0x1FD90]  }
0x2c9: {  	v57 =	vadd.f32 v10, v14;
	v10 =	vld [tilespmem:$0x1FC90]  }
0x2ca: {  	v14 =	vld [tilespmem:$0x1FCA0]  }
0x2cb: {  	v18 =	vadd.f32 v29, v18;
	v26 =	vadd.f32 v60, v57;
	v60 =	vld [tilespmem:$0x1FDA0]  }
0x2cc: {  	v30 =	vadd.f32 v41, v22;
	v22 =	vld.idx.msk [tilespmem:v49+s2+$0x0], $0xffff  }
0x2cd: {  	v18 =	vadd.f32 v48, v18;
	v49 =	vld [tilespmem:$0x1FDE0]  }
0x2ce: {  	v15 =	vld.idx.msk [tilespmem:v15+s2+$0x0], $0xffff  }
0x2cf: {  	v18 =	vadd.f32 v14, v18;
	v14 =	vld [tilespmem:$0x1FCB0]  }
0x2d0: {  	v30 =	vadd.f32 v59, v30;
	v59 =	vld [tilespmem:$0x1FE50]  }
0x2d1: {  	v29 =	vadd.f32 v63, v18;
	v18 =	vld.idx.msk [tilespmem:v40+s2+$0x0], $0xffff  }
0x2d2: {  	v63 =	vld [tilespmem:$0x1FDC0]  }
0x2d3: {  	v10 =	vld.idx.msk [tilespmem:v10+s2+$0x0], $0xffff  }
0x2d4: {  	v29 =	vadd.f32 v53, v29;
	v53 =	vld [tilespmem:$0x1FDF0]  }
0x2d5: {  	v58 =	vadd.f32 v14, v16;
	v14 =	vld [tilespmem:$0x1FCC0]  }
0x2d6: {  	v16 =	vld.idx.msk [tilespmem:v62+s2+$0x0], $0xffff  }
0x2d7: {  	v62 =	vld [tilespmem:$0x1FDB0]  }
0x2d8: {  	v48 =	vadd.f32 v42, v26;
	v2 =	vadd.f32 v59, v2;
	v59 =	vld [tilespmem:$0x1FEF0]  }
0x2d9: {  	v27 =	vadd.f32 v34, v58;
	v58 =	vld [tilespmem:$0x1FD80]  }
0x2da: {  	v34 =	vadd.f32 v60, v48;
	v48 =	vld [tilespmem:$0x1FDD0]  }
0x2db: {  	s1 =	sor.u32 s18, s12;
	s7 =	sld [smem:$0x7EF];
	v41 =	vadd.f32 v63, v29;
	v29 =	vld.idx.msk [tilespmem:v49+s2+$0x0], $0xffff  }
0x2dc: {  	v49 =	vld [tilespmem:s1+$0x0]  }
0x2dd: {  	s9 =	sld [smem:$0x7F1];
	v60 =	vld [tilespmem:$0x1FE60]  }
0x2de: {  	s11 =	sld [smem:$0x7F3];
	s1 =	sor.u32 s18, s7;
	v63 =	vld [tilespmem:$0x1FE80]  }
0x2df: {  	s13 =	sld [smem:$0x7F5];
	v8 =	vld [tilespmem:s1+$0x0]  }
0x2e0: {  	s1 =	sor.u32 s18, s9;
	v57 =	vadd.f32 v56, v27;
	v56 =	vld [tilespmem:$0x1FE00]  }
0x2e1: {  	s16 =	sld [smem:$0x7F7];
	v9 =	vld [tilespmem:s1+$0x0];
	s1 =	sor.u32 s18, s11  }
0x2e2: {  	v5 =	vld [tilespmem:s1+$0x0];
	s1 =	sor.u32 s18, s13  }
0x2e3: {  	v4 =	vld [tilespmem:s1+$0x0]  }
0x2e4: {  	s1 =	sor.u32 s18, s16;
	v40 =	vadd.f32 v48, v57;
	v57 =	vld [tilespmem:$0x1FE10]  }
0x2e5: {  	v13 =	vld [tilespmem:s1+$0x0]  }
0x2e6: {  	s20 =	sld [smem:$0x7F9];
	v6 =	vadd.f32 v60, v6;
	v60 =	vld [tilespmem:$0x1FF00]  }
0x2e7: {  	v14 =	vld.idx.msk [tilespmem:v14+s2+$0x0], $0xffff  }
0x2e8: {  	s22 =	sld [smem:$0x7FB];
	v27 =	vld.idx.msk [tilespmem:v62+s2+$0x0], $0xffff  }
0x2e9: {  	s1 =	sor.u32 s18, s20;
	v62 =	vld [tilespmem:$0x1FE70]  }
0x2ea: {  	v39 =	vld [tilespmem:s1+$0x0]  }
0x2eb: {  	s1 =	sor.u32 s18, s22;
	v48 =	vadd.f32 v56, v34;
	v56 =	vld [tilespmem:$0x1FEC0]  }
0x2ec: {  	s24 =	sld [smem:$0x7FD];
	v17 =	vld [tilespmem:s1+$0x0]  }
0x2ed: {  	v26 =	vld.idx.msk [tilespmem:v58+s2+$0x0], $0xffff  }
0x2ee: {  	v58 =	vld [tilespmem:$0x1FE20]  }
0x2ef: {  	v6 =	vadd.f32 v63, v6;
	s1 =	sor.u32 s18, s24;
	v63 =	vld [tilespmem:$0x1FF30]  }
0x2f0: {  	v0 =	vld [tilespmem:s1+$0x0]  }
0x2f1: {  	v42 =	vadd.f32 v53, v30;
	v2 =	vadd.f32 v62, v2;
	v30 =	vld.idx.msk [tilespmem:v57+s2+$0x0], $0xffff  }
0x2f2: {  	v57 =	vld [tilespmem:$0x1FED0]  }
0x2f3: {  	v2 =	vadd.f32 v11, v2;
	v11 =	vld [tilespmem:$0x1FEA0]  }
0x2f4: {  	v8 =	vld.idx.msk [tilespmem:v8+s2+$0x0], $0xffff  }
0x2f5: {  	v9 =	vld.idx.msk [tilespmem:v9+s2+$0x0], $0xffff;
	v2 =	vadd.f32 v54, v2  }
0x2f6: {  	s12 =	sld [smem:$0x7F4];
	v34 =	vld.idx.msk [tilespmem:v58+s2+$0x0], $0xffff  }
0x2f7: {  	v58 =	vld [tilespmem:$0x1FEE0];
	v2 =	vadd.f32 v57, v2  }
0x2f8: {  	s14 =	sld [smem:$0x7F6];
	v62 =	vld [tilespmem:$0x1FF20];
	v6 =	vadd.f32 v11, v6  }
0x2f9: {  	s0 =	sor.u32 s18, s12;
	v54 =	vld [tilespmem:$0x1FF60];
	v2 =	vadd.f32 v59, v2  }
0x2fa: {  	s19 =	sld [smem:$0x7F8];
	v11 =	vld [tilespmem:s0+$0x0];
	v6 =	vadd.f32 v56, v6  }
0x2fb: {  	s0 =	sor.u32 s18, s14;
	v57 =	vld [tilespmem:$0x1FF90];
	v2 =	vadd.f32 v61, v2  }
0x2fc: {  	v44 =	vld [tilespmem:s0+$0x0];
	v6 =	vadd.f32 v58, v6  }
0x2fd: {  	s21 =	sld [smem:$0x7FA];
	s0 =	sor.u32 s18, s19;
	v23 =	vadd.f32 v63, v2;
	v2 =	vld [tilespmem:$0x1FF40]  }
0x2fe: {  	s23 =	sld [smem:$0x7FC];
	v50 =	vld [tilespmem:s0+$0x0];
	v6 =	vadd.f32 v60, v6  }
0x2ff: {  	v56 =	vld [tilespmem:$0x1FF80]  }
0x300: {  	s0 =	sor.u32 s18, s21;
	v59 =	vadd.f32 v48, v42;
	v48 =	vld [tilespmem:$0x1FFE0];
	v6 =	vadd.f32 v62, v6  }
0x301: {  	v52 =	vld [tilespmem:s0+$0x0];
	s0 =	sor.u32 s18, s23  }
0x302: {  	v1 =	vadd.f32 v25, v1;
	v53 =	vld [tilespmem:s0+$0x0];
	v6 =	vadd.f32 v2, v6  }
0x303: {  	v28 =	vadd.f32 v38, v28;
	v58 =	vadd.f32 v40, v41;
	v61 =	vld [tilespmem:$0x1FFB0]  }
0x304: {  	v60 =	vld [tilespmem:$0x1FFA0];
	v23 =	vadd.f32 v54, v23;
	v6 =	vadd.f32 v55, v6  }
0x305: {  	v1 =	vadd.f32 v1, v28;
	v63 =	vld [tilespmem:$0x1FFD0]  }
0x306: {  	v38 =	vadd.f32 v59, v58;
	v59 =	vld.idx.msk [tilespmem:v37+s2+$0x0], $0xffff;
	v6 =	vadd.f32 v6, v23  }
0x307: {  	v45 =	vadd.f32 $0.0e+00, v45;
	v25 =	vld.idx.msk [tilespmem:v57+s2+$0x0], $0xffff  }
0x308: {  	v62 =	vld [tilespmem:$0x1FFC0];
	v54 =	vadd.f32 v1, v6;
	v1 =	vadd.f32 $0.0e+00, v47  }
0x309: {  	v46 =	vadd.f32 $0.0e+00, v46;
	v31 =	vadd.f32 v31, v45;
	v6 =	vld [tilespmem:$0x1FFF0]  }
0x30a: {  	v36 =	vld.idx.msk [tilespmem:v56+s2+$0x0], $0xffff;
	v56 =	vadd.f32 $0.0e+00, v43;
	v1 =	vadd.f32 v32, v1  }
0x30b: {  	s25 =	rddreg [dreg:$0x1f];
	v33 =	vadd.f32 v33, v46;
	v58 =	vadd.f32 v24, v31;
	v11 =	vld.idx.msk [tilespmem:v11+s2+$0x0], $0xffff  }
0x30c: {  	s0 =	sor.u32 s18, s25;
	v40 =	vld.idx.msk [tilespmem:v48+s2+$0x0], $0xffff;
	v15 =	vadd.f32 v15, v56;
	v1 =	vadd.f32 v20, v1  }
0x30d: {  	v57 =	vadd.f32 v21, v33;
	v2 =	vld [tilespmem:s0+$0x0];
	v28 =	vadd.f32 v62, v63  }
0x30e: {  	v55 =	vld.idx.msk [tilespmem:v49+s2+$0x0], $0xffff;
	v10 =	vadd.f32 v10, v15;
	v1 =	vadd.f32 v14, v1  }
0x30f: {  	v41 =	vld.idx.msk [tilespmem:v60+s2+$0x0], $0xffff;
	v15 =	vadd.f32 v18, v58;
	v14 =	vadd.f32 v16, v57  }
0x310: {  	v23 =	vld.idx.msk [tilespmem:v61+s2+$0x0], $0xffff;
	v10 =	vadd.f32 v22, v10;
	v1 =	vadd.f32 v26, v1  }
0x311: {  	v15 =	vadd.f32 v29, v15;
	v6 =	vld.idx.msk [tilespmem:v6+s2+$0x0], $0xffff;
	v14 =	vadd.f32 v27, v14  }
0x312: {  	v62 =	vld.idx.msk [tilespmem:v5+s2+$0x0], $0xffff;
	v10 =	vadd.f32 v30, v10;
	v61 =	vadd.f32 v34, v1  }
0x313: {  	s26 =	rddreg [dreg:$0x1e];
	v63 =	vld.idx.msk [tilespmem:v4+s2+$0x0], $0xffff;
	v5 =	vadd.f32 v19, v14;
	v14 =	vadd.f32 v36, v15  }
0x314: {  	s0 =	sor.u32 s18, s26;
	v60 =	vld.idx.msk [tilespmem:v51+s2+$0x0], $0xffff;
	v10 =	vadd.f32 v25, v10;
	v15 =	vadd.f32 v41, v61  }
0x315: {  	v1 =	vld [tilespmem:s0+$0x0];
	v5 =	vadd.f32 v23, v5;
	v14 =	vadd.f32 v40, v14  }
0x316: {  	v4 =	vadd.f32 v6, v10;
	v6 =	vadd.f32 v55, v15;
	v15 =	vld.idx.msk [tilespmem:v44+s2+$0x0], $0xffff  }
0x317: {  	v10 =	vadd.f32 v35, v5;
	v12 =	vadd.f32 v12, v14;
	v5 =	vld.idx.msk [tilespmem:v13+s2+$0x0], $0xffff  }
0x318: {  	s28 =	sand.u32 $0x180, s2;
	v4 =	vadd.f32 v3, v4;
	v3 =	vld.idx.msk [tilespmem:v39+s2+$0x0], $0xffff;
	v7 =	vadd.f32 v7, v6  }
0x319: {  	s30 =	simm.s32 $0x20;
	s0 =	sor.u32 s15, s28;
	v6 =	vld.idx.msk [tilespmem:v50+s2+$0x0], $0xffff;
	v8 =	vadd.f32 v8, v10;
	v10 =	vadd.f32 v59, v12  }
0x31a: {  	s31 =	simm.s32 $0x9780;
	[tilespmem:s0+$0x9780] =	vst v28;
	s0 =	sand.u32 $0x180, s30;
	v13 =	vadd.f32 v9, v4;
	v4 =	vld.idx.msk [tilespmem:v52+s2+$0x0], $0xffff;
	v14 =	vadd.f32 v60, v7  }
0x31b: {  	s29 =	simm.s32 $0x9780;
	[tilespmem:s31+$0x0] =	vst v38;
	s0 =	sor.u32 s17, s0;
	v9 =	vadd.f32 v62, v8;
	v12 =	vadd.f32 v11, v10;
	v7 =	vld.idx.msk [tilespmem:v17+s2+$0x0], $0xffff  }
0x31c: {  	s16 =	simm.s32 $0x2;
	s18 =	simm.s32 $0x40;
	s17 =	simm.s32 $0x200;
	[tilespmem:s0+$0x9780] =	vst v54;
	v8 =	vld.idx.msk [tilespmem:v53+s2+$0x0], $0xffff;
	v10 =	vadd.f32 v63, v13;
	v11 =	vadd.f32 v15, v14  }
.LBB2_2:
0x31d: {  	s0 =	sand.u32 $0x60, s18;
	s1 =	sand.u32 $0xC00, s17  }
0x31e: {  	s4 =	sor.u32 $0x10, s0;
	s9 =	sadd.s32 $0x8780, s1;
	s31 =	sadd.s32 $0x6B00, s1  }
0x31f: {  	s11 =	sor.u32 s0, s9;
	s13 =	sor.u32 s4, s9;
	s9 =	sor.u32 s4, s31  }
0x320: {  	s3 =	sadd.s32 $0x7A80, s1;
	s8 =	sadd.s32 $0x7B00, s1;
	v17 =	vld [tilespmem:s9+$0x0]  }
0x321: {  	s12 =	sadd.s32 $0x8800, s1;
	s14 =	sadd.s32 $0x7880, s1;
	s20 =	sadd.s32 $0x7900, s1;
	v5 =	vadd.f32 v5, v9;
	v9 =	vld.idx.msk [tilespmem:v0+s2+$0x0], $0xffff  }
0x322: {  	s22 =	sadd.s32 $0x7980, s1;
	s25 =	sadd.s32 $0x6A80, s1;
	s5 =	sor.u32 s0, s3;
	v2 =	vld.idx.msk [tilespmem:v2+s2+$0x0], $0xffff  }
0x323: {  	s3 =	sor.u32 s4, s3;
	s6 =	sor.u32 s0, s8;
	[dreg:$0x4] =	wrdreg s5;
	v14 =	vld.idx.msk [tilespmem:v1+s2+$0x0], $0xffff  }
0x324: {  	s10 =	sor.u32 s4, s8;
	s7 =	sor.u32 s0, s12;
	[dreg:$0x5] =	wrdreg s6;
	v3 =	vadd.f32 v3, v10;
	v10 =	vld [tilespmem:s3+$0x0]  }
0x325: {  	s15 =	sor.u32 s4, s12;
	s19 =	sor.u32 s0, s14;
	[dreg:$0x7] =	wrdreg s7;
	v4 =	vadd.f32 v4, v11;
	v11 =	vld [tilespmem:s10+$0x0]  }
0x326: {  	s21 =	sor.u32 s0, s20;
	s23 =	sor.u32 s0, s22;
	[dreg:$0x8] =	wrdreg s19;
	v0 =	vld [tilespmem:s13+$0x0]  }
0x327: {  	s30 =	sor.u32 s0, s25;
	s6 =	sor.u32 s4, s14;
	[dreg:$0x9] =	wrdreg s21;
	v1 =	vld [tilespmem:s15+$0x0]  }
0x328: {  	s12 =	sadd.s32 $0x6880, s1;
	s5 =	sor.u32 s4, s20;
	[dreg:$0xa] =	wrdreg s23;
	v6 =	vadd.f32 v6, v12;
	v12 =	vld [tilespmem:s6+$0x0]  }
0x329: {  	s7 =	sor.u32 s0, s31;
	s19 =	sadd.s32 $0x6900, s1;
	v13 =	vld [tilespmem:s5+$0x0];
	s5 =	sor.u32 s4, s25  }
0x32a: {  	s31 =	sadd.s32 $0x5B00, s1;
	s3 =	sor.u32 s4, s22;
	s22 =	sor.u32 s4, s19;
	v16 =	vld [tilespmem:s5+$0x0]  }
0x32b: {  	[dreg:$0xc] =	wrdreg s30;
	s21 =	sadd.s32 $0x6980, s1;
	s9 =	sor.u32 s4, s31;
	v21 =	vld [tilespmem:s22+$0x0]  }
0x32c: {  	s15 =	sor.u32 s0, s12;
	s25 =	sadd.s32 $0x5A80, s1;
	s5 =	sor.u32 s4, s12;
	v23 =	vld [tilespmem:s9+$0x0]  }
0x32d: {  	s30 =	sor.u32 s0, s25;
	s22 =	sadd.s32 $0x5A00, s1;
	v20 =	vld [tilespmem:s5+$0x0];
	s5 =	sor.u32 s4, s25  }
0x32e: {  	s12 =	sadd.s32 $0x5880, s1;
	[dreg:$0x14] =	wrdreg s30;
	s30 =	sor.u32 s4, s22;
	v22 =	vld [tilespmem:s5+$0x0]  }
0x32f: {  	s23 =	sor.u32 s0, s21;
	[dreg:$0x10] =	wrdreg s15;
	s5 =	sor.u32 s4, s12;
	v15 =	vld [tilespmem:s30+$0x0]  }
0x330: {  	[dreg:$0x12] =	wrdreg s23;
	s23 =	sadd.s32 $0x4A80, s1;
	v26 =	vld [tilespmem:s5+$0x0]  }
0x331: {  	v5 =	vadd.f32 v7, v5;
	s15 =	sor.u32 s0, s12;
	s12 =	sadd.s32 $0x4900, s1;
	s5 =	sor.u32 s4, s23;
	v4 =	vadd.f32 v2, v4;
	v2 =	vld [tilespmem:s3+$0x0]  }
0x332: {  	s24 =	sadd.s32 $0x7A00, s1;
	v6 =	vadd.f32 v8, v6;
	[dreg:$0x18] =	wrdreg s15;
	s15 =	sor.u32 s4, s12;
	v3 =	vadd.f32 v9, v3;
	v28 =	vld [tilespmem:s5+$0x0]  }
0x333: {  	s28 =	sor.u32 s4, s24;
	[dreg:$0x6] =	wrdreg s11;
	s11 =	sadd.s32 $0x7800, s1;
	v5 =	vadd.f32 v14, v5;
	v31 =	vld [tilespmem:s15+$0x0]  }
0x334: {  	s14 =	sor.u32 s4, s11;
	v6 =	vadd.f32 v3, v6;
	v3 =	vld [tilespmem:s28+$0x0]  }
0x335: {  	s26 =	sor.u32 s0, s24;
	s24 =	sadd.s32 $0x6A00, s1;
	v4 =	vadd.f32 v5, v4;
	v5 =	vld [tilespmem:s14+$0x0]  }
0x336: {  	s13 =	sor.u32 s0, s11;
	s11 =	sadd.s32 $0x6800, s1;
	s28 =	sor.u32 s4, s24;
	v17 =	vld.idx.msk [tilespmem:v17+s2+$0x0], $0xffff  }
0x337: {  	s9 =	sadd.s32 $0x5800, s1;
	s14 =	sor.u32 s4, s11;
	v7 =	vld [tilespmem:s28+$0x0]  }
0x338: {  	[dreg:$0xf] =	wrdreg s13;
	s13 =	sor.u32 s0, s11;
	s11 =	sor.u32 s4, s9;
	v9 =	vld [tilespmem:s14+$0x0]  }
0x339: {  	v19 =	vld [tilespmem:s11+$0x0]  }
0x33a: {  	v10 =	vld.idx.msk [tilespmem:v10+s2+$0x0], $0xffff  }
0x33b: {  	v11 =	vld.idx.msk [tilespmem:v11+s2+$0x0], $0xffff  }
0x33c: {  	s8 =	sadd.s32 $0x7780, s1;
	v12 =	vld.idx.msk [tilespmem:v12+s2+$0x0], $0xffff  }
0x33d: {  	s10 =	sor.u32 s0, s8;
	s3 =	sor.u32 s4, s8;
	s8 =	sadd.s32 $0x6780, s1;
	v13 =	vld.idx.msk [tilespmem:v13+s2+$0x0], $0xffff  }
0x33e: {  	[dreg:$0xe] =	wrdreg s10;
	s10 =	sor.u32 s0, s8;
	v0 =	vld.idx.msk [tilespmem:v0+s2+$0x0], $0xffff  }
0x33f: {  	[dreg:$0x16] =	wrdreg s10;
	s10 =	sadd.s32 $0x4880, s1;
	v1 =	vld.idx.msk [tilespmem:v1+s2+$0x0], $0xffff  }
0x340: {  	s5 =	sor.u32 s4, s10;
	v6 =	vadd.f32 v4, v6;
	v4 =	vld [tilespmem:s3+$0x0]  }
0x341: {  	v30 =	vld [tilespmem:s5+$0x0]  }
0x342: {  	v16 =	vld.idx.msk [tilespmem:v16+s2+$0x0], $0xffff  }
0x343: {  	s20 =	sor.u32 s0, s19;
	s19 =	sadd.s32 $0x5900, s1;
	v21 =	vld.idx.msk [tilespmem:v21+s2+$0x0], $0xffff  }
0x344: {  	s3 =	sor.u32 s4, s21;
	s21 =	sor.u32 s4, s19;
	v23 =	vld.idx.msk [tilespmem:v23+s2+$0x0], $0xffff  }
0x345: {  	v27 =	vld [tilespmem:s21+$0x0]  }
0x346: {  	s29 =	sadd.s32 $0x20, s29;
	v20 =	vld.idx.msk [tilespmem:v20+s2+$0x0], $0xffff  }
0x347: {  	[tilespmem:s29+$0x0] =	vst v6;
	v6 =	vld [tilespmem:s3+$0x0]  }
0x348: {  	[dreg:$0xd] =	wrdreg s7;
	v22 =	vld.idx.msk [tilespmem:v22+s2+$0x0], $0xffff  }
0x349: {  	s7 =	sor.u32 s0, s31;
	s31 =	sadd.s32 $0x4B00, s1;
	s3 =	sor.u32 s4, s8;
	v15 =	vld.idx.msk [tilespmem:v15+s2+$0x0], $0xffff  }
0x34a: {  	[dreg:$0xb] =	wrdreg s26;
	s8 =	sor.u32 s4, s31;
	v8 =	vld [tilespmem:s3+$0x0]  }
0x34b: {  	s26 =	sor.u32 s0, s24;
	[dreg:$0x11] =	wrdreg s20;
	v29 =	vld [tilespmem:s8+$0x0]  }
0x34c: {  	s20 =	sadd.s32 $0x5980, s1;
	s24 =	sor.u32 s0, s23;
	s28 =	sor.u32 s0, s19;
	v26 =	vld.idx.msk [tilespmem:v26+s2+$0x0], $0xffff  }
0x34d: {  	s23 =	sor.u32 s0, s31;
	s31 =	sadd.s32 $0x3A80, s1;
	s3 =	sor.u32 s4, s20;
	v58 =	vld [tilespmem:s28+$0x0]  }
0x34e: {  	s5 =	sor.u32 s4, s31;
	v14 =	vld [tilespmem:s3+$0x0]  }
0x34f: {  	[dreg:$0x13] =	wrdreg s26;
	v32 =	vld [tilespmem:s5+$0x0]  }
0x350: {  	[dreg:$0x15] =	wrdreg s7;
	s7 =	sadd.s32 $0x5780, s1;
	v28 =	vld.idx.msk [tilespmem:v28+s2+$0x0], $0xffff  }
0x351: {  	s26 =	sor.u32 s0, s20;
	s21 =	sor.u32 s0, s9;
	s9 =	sadd.s32 $0x4780, s1;
	v31 =	vld.idx.msk [tilespmem:v31+s2+$0x0], $0xffff  }
0x352: {  	s25 =	sor.u32 s0, s22;
	s20 =	sor.u32 s0, s10;
	s10 =	sor.u32 s0, s9;
	v2 =	vld.idx.msk [tilespmem:v2+s2+$0x0], $0xffff  }
0x353: {  	s22 =	sor.u32 s0, s7;
	s30 =	sadd.s32 $0x4A00, s1;
	s3 =	sor.u32 s4, s7;
	v55 =	vld [tilespmem:s10+$0x0]  }
0x354: {  	s19 =	sor.u32 s0, s12;
	s8 =	sadd.s32 $0x3B00, s1;
	s7 =	sor.u32 s4, s30;
	v18 =	vld [tilespmem:s3+$0x0]  }
0x355: {  	s12 =	sor.u32 s0, s31;
	s31 =	sadd.s32 $0x3880, s1;
	s15 =	sor.u32 s4, s8;
	v25 =	vld [tilespmem:s7+$0x0]  }
0x356: {  	[dreg:$0x17] =	wrdreg s13;
	s13 =	sadd.s32 $0x4980, s1;
	s5 =	sor.u32 s4, s31;
	v33 =	vld [tilespmem:s15+$0x0]  }
0x357: {  	s14 =	sor.u32 s0, s13;
	s3 =	sor.u32 s4, s13;
	v36 =	vld [tilespmem:s5+$0x0]  }
0x358: {  	s13 =	sor.u32 s0, s30;
	s30 =	sadd.s32 $0x4800, s1;
	v24 =	vld [tilespmem:s3+$0x0];
	s3 =	sor.u32 s4, s9  }
0x359: {  	s15 =	sadd.s32 $0x3900, s1;
	s7 =	sor.u32 s4, s30;
	v34 =	vld [tilespmem:s3+$0x0]  }
0x35a: {  	s11 =	sor.u32 s0, s8;
	s8 =	sor.u32 s0, s31;
	s31 =	sor.u32 s4, s15;
	v35 =	vld [tilespmem:s7+$0x0]  }
0x35b: {  	s9 =	sor.u32 s0, s30;
	s30 =	sadd.s32 $0x3980, s1;
	v37 =	vld [tilespmem:s31+$0x0]  }
0x35c: {  	s3 =	sor.u32 s4, s30;
	v19 =	vld.idx.msk [tilespmem:v19+s2+$0x0], $0xffff  }
0x35d: {  	s7 =	sor.u32 s0, s15;
	s15 =	sadd.s32 $0x3A00, s1;
	v38 =	vld [tilespmem:s3+$0x0]  }
0x35e: {  	s6 =	sor.u32 s0, s30;
	s31 =	sadd.s32 $0x2780, s1;
	s30 =	sor.u32 s4, s15;
	v30 =	vld.idx.msk [tilespmem:v30+s2+$0x0], $0xffff  }
0x35f: {  	s5 =	sor.u32 s0, s15;
	s15 =	sor.u32 s0, s31;
	s31 =	sor.u32 s4, s31;
	v39 =	vld [tilespmem:s30+$0x0]  }
0x360: {  	v40 =	vld [tilespmem:s31+$0x300]  }
0x361: {  	v41 =	vld [tilespmem:s31+$0x380]  }
0x362: {  	v44 =	vld [tilespmem:s31+$0x100]  }
0x363: {  	v45 =	vld [tilespmem:s31+$0x180]  }
0x364: {  	v46 =	vld [tilespmem:s31+$0x200]  }
0x365: {  	v47 =	vld [tilespmem:s31+$0x280]  }
0x366: {  	s30 =	sadd.s32 $0x3780, s1;
	v48 =	vld [tilespmem:s31+$0x0]  }
0x367: {  	s1 =	sadd.s32 $0x3800, s1;
	v49 =	vld [tilespmem:s31+$0x80];
	s3 =	sor.u32 s0, s30;
	s30 =	sor.u32 s4, s30  }
0x368: {  	s0 =	sor.u32 s0, s1;
	s1 =	sor.u32 s4, s1;
	v42 =	vld [tilespmem:s30+$0x0]  }
0x369: {  	v43 =	vld [tilespmem:s1+$0x0]  }
0x36a: {  	v32 =	vld.idx.msk [tilespmem:v32+s2+$0x0], $0xffff  }
0x36b: {  	v33 =	vld.idx.msk [tilespmem:v33+s2+$0x0], $0xffff  }
0x36c: {  	v36 =	vld.idx.msk [tilespmem:v36+s2+$0x0], $0xffff  }
0x36d: {  	v37 =	vld.idx.msk [tilespmem:v37+s2+$0x0], $0xffff  }
0x36e: {  	v40 =	vld.idx.msk [tilespmem:v40+s2+$0x0], $0xffff  }
0x36f: {  	v41 =	vld.idx.msk [tilespmem:v41+s2+$0x0], $0xffff  }
0x370: {  	v44 =	vld.idx.msk [tilespmem:v44+s2+$0x0], $0xffff  }
0x371: {  	v45 =	vld.idx.msk [tilespmem:v45+s2+$0x0], $0xffff  }
0x372: {  	v48 =	vld.idx.msk [tilespmem:v48+s2+$0x0], $0xffff  }
0x373: {  	v49 =	vld.idx.msk [tilespmem:v49+s2+$0x0], $0xffff  }
0x374: {  	v46 =	vld.idx.msk [tilespmem:v46+s2+$0x0], $0xffff  }
0x375: {  	v47 =	vld.idx.msk [tilespmem:v47+s2+$0x0], $0xffff  }
0x376: {  	v42 =	vld.idx.msk [tilespmem:v42+s2+$0x0], $0xffff  }
0x377: {  	v43 =	vld.idx.msk [tilespmem:v43+s2+$0x0], $0xffff  }
0x378: {  	v38 =	vld.idx.msk [tilespmem:v38+s2+$0x0], $0xffff;
	v48 =	vadd.f32 $0.0e+00, v48;
	v49 =	vadd.f32 $0.0e+00, v49  }
0x379: {  	v39 =	vld.idx.msk [tilespmem:v39+s2+$0x0], $0xffff;
	v44 =	vadd.f32 $0.0e+00, v44;
	v45 =	vadd.f32 $0.0e+00, v45  }
0x37a: {  	v34 =	vld.idx.msk [tilespmem:v34+s2+$0x0], $0xffff;
	v46 =	vadd.f32 v46, v48;
	v47 =	vadd.f32 v47, v49  }
0x37b: {  	v35 =	vld.idx.msk [tilespmem:v35+s2+$0x0], $0xffff;
	v40 =	vadd.f32 v40, v44;
	v41 =	vadd.f32 v41, v45  }
0x37c: {  	v25 =	vld.idx.msk [tilespmem:v25+s2+$0x0], $0xffff;
	v42 =	vadd.f32 v42, v46;
	v43 =	vadd.f32 v43, v47  }
0x37d: {  	v24 =	vld.idx.msk [tilespmem:v24+s2+$0x0], $0xffff;
	v36 =	vadd.f32 v36, v40;
	v37 =	vadd.f32 v37, v41  }
0x37e: {  	v29 =	vld.idx.msk [tilespmem:v29+s2+$0x0], $0xffff;
	v38 =	vadd.f32 v38, v42;
	v39 =	vadd.f32 v39, v43  }
0x37f: {  	v18 =	vld.idx.msk [tilespmem:v18+s2+$0x0], $0xffff;
	v32 =	vadd.f32 v32, v36;
	v33 =	vadd.f32 v33, v37  }
0x380: {  	v27 =	vld.idx.msk [tilespmem:v27+s2+$0x0], $0xffff;
	v34 =	vadd.f32 v34, v38;
	v35 =	vadd.f32 v35, v39  }
0x381: {  	v14 =	vld.idx.msk [tilespmem:v14+s2+$0x0], $0xffff;
	v30 =	vadd.f32 v30, v32;
	v31 =	vadd.f32 v31, v33  }
0x382: {  	v9 =	vld.idx.msk [tilespmem:v9+s2+$0x0], $0xffff;
	v24 =	vadd.f32 v24, v34;
	v25 =	vadd.f32 v25, v35  }
0x383: {  	v8 =	vld.idx.msk [tilespmem:v8+s2+$0x0], $0xffff;
	v28 =	vadd.f32 v28, v30;
	v29 =	vadd.f32 v29, v31  }
0x384: {  	v7 =	vld.idx.msk [tilespmem:v7+s2+$0x0], $0xffff;
	v18 =	vadd.f32 v18, v24;
	v19 =	vadd.f32 v19, v25  }
0x385: {  	v6 =	vld.idx.msk [tilespmem:v6+s2+$0x0], $0xffff;
	v51 =	vadd.f32 v26, v28;
	v52 =	vadd.f32 v27, v29  }
0x386: {  	v5 =	vld.idx.msk [tilespmem:v5+s2+$0x0], $0xffff;
	v14 =	vadd.f32 v14, v18;
	v15 =	vadd.f32 v15, v19  }
0x387: {  	v4 =	vld.idx.msk [tilespmem:v4+s2+$0x0], $0xffff;
	v53 =	vadd.f32 v22, v51;
	v54 =	vadd.f32 v23, v52  }
0x388: {  	v3 =	vld.idx.msk [tilespmem:v3+s2+$0x0], $0xffff;
	v8 =	vadd.f32 v8, v14;
	v9 =	vadd.f32 v9, v15  }
0x389: {  	v56 =	vld [tilespmem:s9+$0x0];
	v14 =	vadd.f32 v20, v53;
	v15 =	vadd.f32 v21, v54  }
0x38a: {  	v6 =	vadd.f32 v6, v8;
	v7 =	vadd.f32 v7, v9;
	v8 =	vld [tilespmem:s15+$0x0]  }
0x38b: {  	v9 =	vadd.f32 v16, v14;
	v14 =	vadd.f32 v17, v15;
	v15 =	vld [tilespmem:s15+$0x80]  }
0x38c: {  	v4 =	vadd.f32 v4, v6;
	v6 =	vld [tilespmem:s15+$0x100]  }
0x38d: {  	v5 =	vadd.f32 v5, v7;
	v7 =	vadd.f32 v12, v9;
	v12 =	vld [tilespmem:s15+$0x180]  }
0x38e: {  	v9 =	vadd.f32 v13, v14;
	v13 =	vld [tilespmem:s5+$0x0]  }
0x38f: {  	v14 =	vld [tilespmem:s12+$0x0]  }
0x390: {  	v2 =	vadd.f32 v2, v4;
	v3 =	vadd.f32 v3, v5;
	v4 =	vld [tilespmem:s15+$0x200]  }
0x391: {  	v5 =	vadd.f32 v10, v7;
	v7 =	vadd.f32 v11, v9;
	v9 =	vld [tilespmem:s15+$0x280]  }
0x392: {  	v10 =	vld [tilespmem:s7+$0x0]  }
0x393: {  	v11 =	vld [tilespmem:s6+$0x0];
	s6 =	rddreg [dreg:$0x18]  }
0x394: {  	v57 =	vld [tilespmem:s6+$0x0]  }
0x395: {  	v0 =	vadd.f32 v0, v2;
	v2 =	vld [tilespmem:s15+$0x300]  }
0x396: {  	v1 =	vadd.f32 v1, v3;
	v3 =	vld [tilespmem:s15+$0x380];
	s15 =	rddreg [dreg:$0xc]  }
0x397: {  	v59 =	vld [tilespmem:s15+$0x0]  }
0x398: {  	v0 =	vadd.f32 v1, v0;
	v1 =	vadd.f32 v7, v5;
	v5 =	vld [tilespmem:s3+$0x0]  }
0x399: {  	v7 =	vld [tilespmem:s0+$0x0]  }
0x39a: {  	v0 =	vadd.f32 v0, v1;
	v1 =	vld.idx.msk [tilespmem:v8+s2+$0x0], $0xffff  }
0x39b: {  	v8 =	vld.idx.msk [tilespmem:v15+s2+$0x0], $0xffff  }
0x39c: {  	v6 =	vld.idx.msk [tilespmem:v6+s2+$0x0], $0xffff  }
0x39d: {  	s3 =	sand.u32 $0x180, s18;
	v12 =	vld.idx.msk [tilespmem:v12+s2+$0x0], $0xffff  }
0x39e: {  	s0 =	sor.u32 s4, s3;
	v15 =	vld [tilespmem:s11+$0x0]  }
0x39f: {  	[tilespmem:s0+$0x9780] =	vst v0;
	v0 =	vld [tilespmem:s8+$0x0]  }
0x3a0: {  	v4 =	vld.idx.msk [tilespmem:v4+s2+$0x0], $0xffff  }
0x3a1: {  	v9 =	vld.idx.msk [tilespmem:v9+s2+$0x0], $0xffff  }
0x3a2: {  	v2 =	vld.idx.msk [tilespmem:v2+s2+$0x0], $0xffff  }
0x3a3: {  	v3 =	vld.idx.msk [tilespmem:v3+s2+$0x0], $0xffff  }
0x3a4: {  	v16 =	vld.idx.msk [tilespmem:v59+s2+$0x0], $0xffff  }
0x3a5: {  	v1 =	vadd.f32 $0.0e+00, v1;
	v8 =	vadd.f32 $0.0e+00, v8;
	v5 =	vld.idx.msk [tilespmem:v5+s2+$0x0], $0xffff  }
0x3a6: {  	v7 =	vld.idx.msk [tilespmem:v7+s2+$0x0], $0xffff  }
0x3a7: {  	v1 =	vadd.f32 v4, v1;
	v4 =	vadd.f32 v9, v8;
	v8 =	vld [tilespmem:s20+$0x0]  }
0x3a8: {  	v9 =	vld [tilespmem:s19+$0x0];
	s19 =	rddreg [dreg:$0xd]  }
0x3a9: {  	v6 =	vadd.f32 $0.0e+00, v6;
	s20 =	rddreg [dreg:$0xe];
	v60 =	vld [tilespmem:s19+$0x0]  }
0x3aa: {  	v12 =	vadd.f32 $0.0e+00, v12;
	v61 =	vld [tilespmem:s20+$0x0]  }
0x3ab: {  	v2 =	vadd.f32 v2, v6;
	v6 =	vld [tilespmem:s14+$0x0]  }
0x3ac: {  	v3 =	vadd.f32 v3, v12;
	v12 =	vld [tilespmem:s13+$0x0]  }
0x3ad: {  	v0 =	vld.idx.msk [tilespmem:v0+s2+$0x0], $0xffff  }
0x3ae: {  	v1 =	vadd.f32 v5, v1;
	v5 =	vld.idx.msk [tilespmem:v10+s2+$0x0], $0xffff  }
0x3af: {  	v4 =	vadd.f32 v7, v4;
	v7 =	vld.idx.msk [tilespmem:v11+s2+$0x0], $0xffff  }
0x3b0: {  	v10 =	vld.idx.msk [tilespmem:v13+s2+$0x0], $0xffff  }
0x3b1: {  	v11 =	vld [tilespmem:s24+$0x0]  }
0x3b2: {  	v13 =	vld [tilespmem:s23+$0x0]  }
0x3b3: {  	v0 =	vadd.f32 v0, v2;
	v2 =	vld [tilespmem:s22+$0x0]  }
0x3b4: {  	v8 =	vld.idx.msk [tilespmem:v8+s2+$0x0], $0xffff  }
0x3b5: {  	v9 =	vld.idx.msk [tilespmem:v9+s2+$0x0], $0xffff  }
0x3b6: {  	v3 =	vadd.f32 v5, v3;
	v5 =	vld [tilespmem:s21+$0x0]  }
0x3b7: {  	v1 =	vadd.f32 v7, v1;
	v7 =	vld.idx.msk [tilespmem:v14+s2+$0x0], $0xffff  }
0x3b8: {  	v4 =	vadd.f32 v10, v4;
	v10 =	vld.idx.msk [tilespmem:v15+s2+$0x0], $0xffff  }
0x3b9: {  	v14 =	vld.idx.msk [tilespmem:v55+s2+$0x0], $0xffff  }
0x3ba: {  	v15 =	vld.idx.msk [tilespmem:v56+s2+$0x0], $0xffff  }
0x3bb: {  	v63 =	vld.idx.msk [tilespmem:v61+s2+$0x0], $0xffff  }
0x3bc: {  	v6 =	vld.idx.msk [tilespmem:v6+s2+$0x0], $0xffff  }
0x3bd: {  	v12 =	vld.idx.msk [tilespmem:v12+s2+$0x0], $0xffff  }
0x3be: {  	v0 =	vadd.f32 v7, v0;
	v7 =	vld [tilespmem:s26+$0x0]  }
0x3bf: {  	s7 =	rddreg [dreg:$0x14];
	v3 =	vadd.f32 v10, v3;
	v10 =	vld [tilespmem:s25+$0x0]  }
0x3c0: {  	s8 =	rddreg [dreg:$0x15];
	v1 =	vadd.f32 v14, v1;
	v14 =	vld [tilespmem:s7+$0x0]  }
0x3c1: {  	v4 =	vadd.f32 v15, v4;
	v15 =	vld [tilespmem:s8+$0x0];
	s25 =	rddreg [dreg:$0xb]  }
0x3c2: {  	s9 =	rddreg [dreg:$0x16];
	v62 =	vld [tilespmem:s25+$0x0]  }
0x3c3: {  	s10 =	rddreg [dreg:$0x17];
	v0 =	vadd.f32 v8, v0;
	v8 =	vld [tilespmem:s9+$0x0]  }
0x3c4: {  	v3 =	vadd.f32 v9, v3;
	v9 =	vld [tilespmem:s10+$0x0]  }
0x3c5: {  	v1 =	vadd.f32 v6, v1;
	v6 =	vld.idx.msk [tilespmem:v11+s2+$0x0], $0xffff  }
0x3c6: {  	v11 =	vld.idx.msk [tilespmem:v13+s2+$0x0], $0xffff  }
0x3c7: {  	s11 =	rddreg [dreg:$0x10];
	v2 =	vld.idx.msk [tilespmem:v2+s2+$0x0], $0xffff  }
0x3c8: {  	v4 =	vadd.f32 v12, v4;
	v12 =	vld [tilespmem:s11+$0x0]  }
0x3c9: {  	s12 =	rddreg [dreg:$0x11];
	v5 =	vld.idx.msk [tilespmem:v5+s2+$0x0], $0xffff  }
0x3ca: {  	s13 =	rddreg [dreg:$0x12];
	v13 =	vld [tilespmem:s12+$0x0]  }
0x3cb: {  	s14 =	rddreg [dreg:$0x13];
	v0 =	vadd.f32 v6, v0;
	v6 =	vld [tilespmem:s13+$0x0]  }
0x3cc: {  	v3 =	vadd.f32 v11, v3;
	v11 =	vld [tilespmem:s14+$0x0]  }
0x3cd: {  	v1 =	vadd.f32 v2, v1;
	v2 =	vld.idx.msk [tilespmem:v57+s2+$0x0], $0xffff  }
0x3ce: {  	v4 =	vadd.f32 v5, v4;
	v5 =	vld.idx.msk [tilespmem:v58+s2+$0x0], $0xffff  }
0x3cf: {  	v7 =	vld.idx.msk [tilespmem:v7+s2+$0x0], $0xffff  }
0x3d0: {  	v10 =	vld.idx.msk [tilespmem:v10+s2+$0x0], $0xffff  }
0x3d1: {  	v8 =	vld.idx.msk [tilespmem:v8+s2+$0x0], $0xffff  }
0x3d2: {  	s21 =	rddreg [dreg:$0xf];
	v9 =	vld.idx.msk [tilespmem:v9+s2+$0x0], $0xffff  }
0x3d3: {  	v0 =	vadd.f32 v2, v0;
	v2 =	vadd.f32 v5, v3;
	v3 =	vld [tilespmem:s21+$0x0]  }
0x3d4: {  	v5 =	vld.idx.msk [tilespmem:v14+s2+$0x0], $0xffff  }
0x3d5: {  	s22 =	rddreg [dreg:$0x8];
	v1 =	vadd.f32 v7, v1;
	v7 =	vld.idx.msk [tilespmem:v15+s2+$0x0], $0xffff  }
0x3d6: {  	s23 =	rddreg [dreg:$0x9];
	v4 =	vadd.f32 v10, v4;
	v10 =	vld [tilespmem:s22+$0x0]  }
0x3d7: {  	s24 =	rddreg [dreg:$0xa];
	v14 =	vld [tilespmem:s23+$0x0]  }
0x3d8: {  	v15 =	vld [tilespmem:s24+$0x0]  }
0x3d9: {  	v8 =	vadd.f32 v8, v1;
	v1 =	vld.idx.msk [tilespmem:v12+s2+$0x0], $0xffff  }
0x3da: {  	v4 =	vadd.f32 v9, v4;
	v9 =	vld.idx.msk [tilespmem:v13+s2+$0x0], $0xffff  }
0x3db: {  	v6 =	vld.idx.msk [tilespmem:v6+s2+$0x0], $0xffff  }
0x3dc: {  	s26 =	rddreg [dreg:$0x4];
	v11 =	vld.idx.msk [tilespmem:v11+s2+$0x0], $0xffff  }
0x3dd: {  	s28 =	rddreg [dreg:$0x5];
	v13 =	vld [tilespmem:s26+$0x0]  }
0x3de: {  	s30 =	rddreg [dreg:$0x6];
	v5 =	vadd.f32 v5, v0;
	v0 =	vld [tilespmem:s28+$0x0]  }
0x3df: {  	s31 =	rddreg [dreg:$0x7];
	v7 =	vadd.f32 v7, v2;
	v2 =	vld [tilespmem:s30+$0x0]  }
0x3e0: {  	v12 =	vadd.f32 v1, v5;
	v1 =	vld [tilespmem:s31+$0x0]  }
0x3e1: {  	s16 =	sadd.s32 $0x2, s16;
	v7 =	vadd.f32 v9, v7;
	v9 =	vadd.f32 v11, v4;
	v11 =	vld.idx.msk [tilespmem:v60+s2+$0x0], $0xffff  }
0x3e2: {  	p0 =	slt.u32 s16, $0x1E;
	v5 =	vld.idx.msk [tilespmem:v3+s2+$0x0], $0xffff  }
.Ltmp0:
0x3e3: {  	v8 =	vadd.f32 v6, v8;
	v6 =	vld.idx.msk [tilespmem:v10+s2+$0x0], $0xffff;
	(pc) =	sbr.rel @p0 .LBB2_2-.Ltmp0, $4  }
0x3e4: {  	v3 =	vld.idx.msk [tilespmem:v14+s2+$0x0], $0xffff  }
0x3e5: {  	v4 =	vld.idx.msk [tilespmem:v15+s2+$0x0], $0xffff  }
0x3e6: {  	v10 =	vadd.f32 v11, v7;
	v7 =	vld.idx.msk [tilespmem:v62+s2+$0x0], $0xffff  }
0x3e7: {  	s17 =	sadd.s32 $0x100, s17;
	s18 =	sadd.s32 $0x20, s18;
	v12 =	vadd.f32 v16, v12;
	v11 =	vadd.f32 v63, v8;
	v8 =	vld.idx.msk [tilespmem:v13+s2+$0x0], $0xffff  }
0x3e8: {  	_ =	sdelay $0x3  }
0x3e9: {  	v0 =	vld.idx.msk [tilespmem:v0+s2+$0x0], $0xffff  }
0x3ea: {  	v2 =	vld.idx.msk [tilespmem:v2+s2+$0x0], $0xffff  }
0x3eb: {  	v1 =	vld.idx.msk [tilespmem:v1+s2+$0x0], $0xffff  }
0x3ec: {  	v5 =	vadd.f32 v5, v9  }
0x3ed: {  	v6 =	vadd.f32 v6, v12;
	v3 =	vadd.f32 v3, v10  }
0x3ee: {  	v4 =	vadd.f32 v4, v11;
	v5 =	vadd.f32 v7, v5  }
0x3ef: {  	v6 =	vadd.f32 v8, v6;
	v0 =	vadd.f32 v0, v3  }
0x3f0: {  	v2 =	vadd.f32 v2, v4;
	v1 =	vadd.f32 v1, v5;
	_ =	sdelay $0x1  }
0x3f1: {  	v0 =	vadd.f32 v0, v6;
	v1 =	vadd.f32 v1, v2;
	_ =	sdelay $0x1  }
0x3f2: {  	v0 =	vadd.f32 v1, v0  }
0x3f3: {  	s0 =	sadd.s32 $0x20, s29  }
0x3f4: {  	[tilespmem:s0+$0x0] =	vst v0  }
0x3f5: {  	s1 =	simm.s32 $0x9780;
	s30 =	simm.s32 $0x3;
	s0 =	rddreg [dreg:$0x1b]  }
0x3f6: {  	[hbm4b:s0+s2] =	stream.linear.scatter [tilespmem:s1], [sflag:$0x3], $0x200, $0x38;
	[tilespmem:$0x9980] =	vst v63  }
0x3f7: {  	_ =	swait.ge [sflag:s30], $0x200  }
0x3f8: {  	s3 =	rddreg [dreg:$0x1d]  }
0x3f9: {  	s31 =	rddreg [dreg:$0x1c];
	s3 =	sadd.s32 $0x1, s3  }
0x3fa: {  	p0 =	sne.s32 s3, s31  }
.Ltmp1:
0x3fb: {  	_ = 	snop;
	(pc) =	sbr.rel @p0 .LBB2_1-.Ltmp1, $3  }
0x3fc: {  	_ =	sdelay $0x1  }
0x3fd: {  	[sflag:s30] =	ssyncset.done $0x0  }
0x3fe: {  	[sflag:s30] =	ssyncadd.s32 $0xFFFFFE00  }
0x3ff: {  	_ =	sfence.sel $0x180000  }
0x400: {  	[bflag:$0x0] =	sbarrier.arrive $0xFFFF  }
0x401: {  	_ =	strace $0x90000047  }
0x402: {  	s0 =	stileid.u32;
	[bflag:$0x2] =	sbarrier.arrive $0xFFFF  }
0x403: {  	p0 =	sne.s32 s0, $0x0;
	s0 =	rddreg [dreg:$0x3]  }
0x404: {  	s0 =	sadd.s32 @!p0 $0x100000, s0  }
0x405: {  	[sflag:s0] =	ssyncadd.tile.s32 @!p0 $0x1;
	_ =	shalt  }
.Lfunc_end2:
_tile_overlayer_lowered:
.L_overlay_start_2:
0x406: {  	(tag) =	ssettag $0x2  }
0x407: {  	s0 =	rddreg [dreg:$0x0];
	s2 =	stileid.u32  }
0x408: {  	s1 =	rddreg [dreg:$0x1];
	p0 =	sne.s32 s2, $0x0  }
0x409: {  	s3 =	rddreg [dreg:$0x2];
	[bflag:$0x3] =	sbarrier.arrive $0xFFFF;
	s2 =	simm.s32 @!p0 $0x1C03  }
0x40a: {  	[timem:s3], [sflag:s2] =	dma.local @!p0 [hbm:s0], s1  }
0x40b: {  	s0 =	simm.s32 @!p0 $0x3  }
0x40c: {  	_ =	swait.ge @!p0 [sflag:s0], s1  }
0x40d: {  	s1 =	ssub.s32 @!p0 $0x0, s1;
	[sflag:s0] =	ssyncset.done @!p0 $0x0  }
0x40e: {  	[sflag:s0] =	ssyncadd.s32 @!p0 s1  }
0x40f: {  	[bflag:$0x3] =	sbarrier.arrive $0xFFFF  }
0x410: {  	_ =	shalt  }

</sc_bundles>
